<compile_context>
chip_gen: v7x
topology: tpu7x:2x2x1
jax: 0.10.2.dev20260603
libtpu: 0.0.44.dev20260713+nightly
codegen_flags: <defaults>
</compile_context>

<pallas_src>
import functools

import jax
import jax.numpy as jnp
from jax import lax
from jax.experimental import pallas as pl
from jax.experimental.pallas import tpu as pltpu
from jax.experimental.pallas import tpu_sc as plsc


def _emb_call(bsz, seq, n, d, bpc):
    nc, ns = 2, 16
    nw = nc * ns
    b_per_w = bsz // nw
    n_chunks = b_per_w // bpc
    assert n_chunks % 2 == 0 and b_per_w % bpc == 0
    n_groups = n_chunks // 2
    mesh = plsc.VectorSubcoreMesh(core_axis_name="c", subcore_axis_name="s")

    @functools.partial(
        pl.kernel,
        out_type=jax.ShapeDtypeStruct((bsz, seq, d), jnp.float32),
        mesh=mesh,
        scratch_types=[
            pltpu.VMEM((b_per_w, seq), jnp.int32),
            pltpu.VMEM((bpc, seq, d), jnp.float32),
            pltpu.VMEM((bpc, seq, d), jnp.float32),
            pltpu.SemaphoreType.DMA,
            pltpu.SemaphoreType.DMA,
            pltpu.SemaphoreType.DMA,
            pltpu.SemaphoreType.DMA,
        ],
        compiler_params=pltpu.CompilerParams(use_tc_tiling_on_sc=False),
    )
    def emb(x_hbm, table_hbm, out3_hbm, idx_v, rows0, rows1, g0, g1, w0, w1):
        wid = lax.axis_index("s") * nc + lax.axis_index("c")
        base = wid * b_per_w
        rows = (rows0, rows1)
        gsem = (g0, g1)
        wsem = (w0, w1)

        pltpu.sync_copy(x_hbm.at[pl.ds(wid * b_per_w, b_per_w)], idx_v)

        def gather(i, b):
            for j in range(bpc):
                pltpu.async_copy(
                    table_hbm.at[idx_v.at[i * bpc + j]],
                    rows[b].at[j],
                    gsem[b],
                )

        def put(i, b):
            pltpu.async_copy(rows[b], out3_hbm.at[pl.ds(base + i * bpc, bpc)], wsem[b])

        def wait_gather(b):
            for j in range(bpc):
                pltpu.make_async_copy(
                    table_hbm.at[idx_v.at[0]], rows[b].at[j], gsem[b]
                ).wait()

        def wait_put(b):
            pltpu.make_async_copy(rows[b], out3_hbm.at[pl.ds(0, bpc)], wsem[b]).wait()

        gather(0, 0)

        def group(g, carry):
            i0 = g * 2
            wait_gather(0)

            @pl.when(g > 0)
            def _():
                wait_put(1)

            gather(i0 + 1, 1)
            put(i0, 0)
            wait_gather(1)
            wait_put(0)

            @pl.when(g < n_groups - 1)
            def _():
                gather(i0 + 2, 0)

            put(i0 + 1, 1)
            return carry

        lax.fori_loop(0, n_groups, group, 0)
        wait_put(1)

    return emb


def kernel(x, weight):
    b, s = x.shape
    _, d = weight.shape
    return _emb_call(b, s, b * s, d, bpc=16)(x, weight)

# --- scband reference (transcript-rebuilt; emitter-appended) ---
"""Pipeline reference for scband-word-embedding-45973329936653 (READ-ONLY COPY).

The authoritative reference and input builder live on the scoring server;
editing this copy changes nothing except your own understanding.
"""

import jax, jax.numpy as jnp
import numpy as np

NUMB_WORDS = 1000000
EMBED_DIM = 32
BATCH = 16384
SEQ = 50

def setup_inputs(seed: int = 0) -> dict:
    key = jax.random.key(seed)
    k_idx, k_w = jax.random.split(key)
    x = jax.random.randint(k_idx, (BATCH, SEQ), 0, NUMB_WORDS, dtype=jnp.int64 if jax.config.jax_enable_x64 else jnp.int32)
    weight = jax.random.normal(k_w, (NUMB_WORDS, EMBED_DIM), dtype=jnp.float32)
    return {"x": x, "weight": weight}

def reference(x, weight):
    # nn.Embedding forward: row gather from the embedding table
    return jnp.take(weight, x, axis=0)

if __name__ == "__main__":
    import jax
    _d = setup_inputs()
    print(jax.jit(kernel)(*tuple(_d.values())))

</pallas_src>

<mosaic_0001>
#map = affine_map<(d0, d1) -> (0, 0)>
#map1 = affine_map<(d0, d1) -> (0, 0, 0)>
module attributes {stable_mosaic.version = 14 : i64} {
  func.func @emb(%arg0: i32, %arg1: i32, %arg2: memref<16384x50xi32, #tpu.memory_space<hbm>>, %arg3: memref<1000000x32xf32, #tpu.memory_space<hbm>>, %arg4: memref<16384x50x32xf32, #tpu.memory_space<hbm>>, %arg5: memref<512x50xi32, #tpu.memory_space<vmem>>, %arg6: memref<16x50x32xf32, #tpu.memory_space<vmem>>, %arg7: memref<16x50x32xf32, #tpu.memory_space<vmem>>, %arg8: memref<!tpu.dma_semaphore, #tpu.memory_space<semaphore_mem>>, %arg9: memref<!tpu.dma_semaphore, #tpu.memory_space<semaphore_mem>>, %arg10: memref<!tpu.dma_semaphore, #tpu.memory_space<semaphore_mem>>, %arg11: memref<!tpu.dma_semaphore, #tpu.memory_space<semaphore_mem>>) attributes {dimension_semantics = [#tpu.dimension_semantics<core_parallel>, #tpu.dimension_semantics<subcore_parallel>], iteration_bounds = array<i64: 2, 16>, scalar_prefetch = 0 : i64, scratch_operands = 7 : i64, tpu.core_type = #tpu.core_type<sc_vector_subcore>, window_params = [{transform_indices = #map}, {transform_indices = #map}, {transform_indices = #map1}]} {
    %mul3A = arith.constant 2 : i32
    %mul3A_0 = arith.muli %arg1, %mul3A : i32
    %add3A = arith.addi %mul3A_0, %arg0 : i32
    %mul3A_1 = arith.constant 512 : i32
    %mul3A_2 = arith.muli %add3A, %mul3A_1 : i32
    %mul3A_3 = arith.constant 512 : i32
    %mul3A_4 = arith.muli %add3A, %mul3A_3 : i32
    "tpu.region"() ({
      %run_scoped3A = tpu.sem_alloc : memref<!tpu.dma_semaphore, #tpu.memory_space<semaphore_mem>>
      %dma_start3A_208 = arith.constant 0 : i32
      %dma_start3A_209 = tpu.memref_slice %arg2[%mul3A_4, %dma_start3A_208] : memref<16384x50xi32, #tpu.memory_space<hbm>> -> memref<512x50xi32, #tpu.memory_space<hbm>>
      %dma_start3A_210 = arith.constant 0 : i32
      %dma_start3A_211 = tpu.memref_slice %arg2[%mul3A_4, %dma_start3A_210] : memref<16384x50xi32, #tpu.memory_space<hbm>> -> memref<512x50xi32, #tpu.memory_space<hbm>>
      tpu.enqueue_dma source(%dma_start3A_211 : memref<512x50xi32, #tpu.memory_space<hbm>>) target(%arg5 : memref<512x50xi32, #tpu.memory_space<vmem>>) target_semaphore(%run_scoped3A : memref<!tpu.dma_semaphore, #tpu.memory_space<semaphore_mem>>)
      %dma_wait3A_212 = arith.constant 0 : i32
      %dma_wait3A_213 = tpu.memref_slice %arg2[%mul3A_4, %dma_wait3A_212] : memref<16384x50xi32, #tpu.memory_space<hbm>> -> memref<512x50xi32, #tpu.memory_space<hbm>>
      %dma_wait3A_214 = arith.constant 0 : i32
      %dma_wait3A_215 = tpu.memref_slice %arg2[%mul3A_4, %dma_wait3A_214] : memref<16384x50xi32, #tpu.memory_space<hbm>> -> memref<512x50xi32, #tpu.memory_space<hbm>>
      tpu.wait_dma2 semaphore(%run_scoped3A : memref<!tpu.dma_semaphore, #tpu.memory_space<semaphore_mem>>) src(%dma_wait3A_215 : memref<512x50xi32, #tpu.memory_space<hbm>>) dst(%arg5 : memref<512x50xi32, #tpu.memory_space<vmem>>)
      tpu.yield
    }) : () -> ()
    %dma_start3A = arith.constant 0 : i32
    %dma_start3A_5 = arith.constant 0 : i32
    %dma_start3A_6 = arith.constant 0 : i32
    %dma_start3A_7 = arith.constant 0 : i32
    %dma_start3A_8 = tpu.memref_slice %arg6[%dma_start3A_5, %dma_start3A_6, %dma_start3A_7] : memref<16x50x32xf32, #tpu.memory_space<vmem>> -> memref<1x50x32xf32, #tpu.memory_space<vmem>>
    %dma_start3A_9 = tpu.memref_squeeze %dma_start3A_8 : memref<1x50x32xf32, #tpu.memory_space<vmem>> -> memref<50x32xf32, #tpu.memory_space<vmem>>
    %dma_start3A_10 = arith.constant 0 : i32
    %dma_start3A_11 = tpu.memref_slice %arg5[%dma_start3A, %dma_start3A_10] : memref<512x50xi32, #tpu.memory_space<vmem>> -> memref<1x50xi32, #tpu.memory_space<vmem>>
    %dma_start3A_12 = tpu.memref_squeeze %dma_start3A_11 : memref<1x50xi32, #tpu.memory_space<vmem>> -> memref<50xi32, #tpu.memory_space<vmem>>
    %dma_start3A_13 = arith.constant 0 : i32
    %dma_start3A_14 = arith.constant 0 : i32
    %dma_start3A_15 = tpu.memref_slice %arg3[%dma_start3A_13, %dma_start3A_14] : memref<1000000x32xf32, #tpu.memory_space<hbm>> -> memref<1000000x32xf32, #tpu.memory_space<hbm>>
    tpu.enqueue_indirect_dma source(%dma_start3A_15 : memref<1000000x32xf32, #tpu.memory_space<hbm>>) target(%dma_start3A_9 : memref<50x32xf32, #tpu.memory_space<vmem>>) offsets(%dma_start3A_12 : memref<50xi32, #tpu.memory_space<vmem>>) semaphore(%arg8 : memref<!tpu.dma_semaphore, #tpu.memory_space<semaphore_mem>>)
    %dma_start3A_16 = arith.constant 1 : i32
    %dma_start3A_17 = arith.constant 1 : i32
    %dma_start3A_18 = arith.constant 0 : i32
    %dma_start3A_19 = arith.constant 0 : i32
    %dma_start3A_20 = tpu.memref_slice %arg6[%dma_start3A_17, %dma_start3A_18, %dma_start3A_19] : memref<16x50x32xf32, #tpu.memory_space<vmem>> -> memref<1x50x32xf32, #tpu.memory_space<vmem>>
    %dma_start3A_21 = tpu.memref_squeeze %dma_start3A_20 : memref<1x50x32xf32, #tpu.memory_space<vmem>> -> memref<50x32xf32, #tpu.memory_space<vmem>>
    %dma_start3A_22 = arith.constant 0 : i32
    %dma_start3A_23 = tpu.memref_slice %arg5[%dma_start3A_16, %dma_start3A_22] : memref<512x50xi32, #tpu.memory_space<vmem>> -> memref<1x50xi32, #tpu.memory_space<vmem>>
    %dma_start3A_24 = tpu.memref_squeeze %dma_start3A_23 : memref<1x50xi32, #tpu.memory_space<vmem>> -> memref<50xi32, #tpu.memory_space<vmem>>
    %dma_start3A_25 = arith.constant 0 : i32
    %dma_start3A_26 = arith.constant 0 : i32
    %dma_start3A_27 = tpu.memref_slice %arg3[%dma_start3A_25, %dma_start3A_26] : memref<1000000x32xf32, #tpu.memory_space<hbm>> -> memref<1000000x32xf32, #tpu.memory_space<hbm>>
    tpu.enqueue_indirect_dma source(%dma_start3A_27 : memref<1000000x32xf32, #tpu.memory_space<hbm>>) target(%dma_start3A_21 : memref<50x32xf32, #tpu.memory_space<vmem>>) offsets(%dma_start3A_24 : memref<50xi32, #tpu.memory_space<vmem>>) semaphore(%arg8 : memref<!tpu.dma_semaphore, #tpu.memory_space<semaphore_mem>>)
    %dma_start3A_28 = arith.constant 2 : i32
    %dma_start3A_29 = arith.constant 2 : i32
    %dma_start3A_30 = arith.constant 0 : i32
    %dma_start3A_31 = arith.constant 0 : i32
    %dma_start3A_32 = tpu.memref_slice %arg6[%dma_start3A_29, %dma_start3A_30, %dma_start3A_31] : memref<16x50x32xf32, #tpu.memory_space<vmem>> -> memref<1x50x32xf32, #tpu.memory_space<vmem>>
    %dma_start3A_33 = tpu.memref_squeeze %dma_start3A_32 : memref<1x50x32xf32, #tpu.memory_space<vmem>> -> memref<50x32xf32, #tpu.memory_space<vmem>>
    %dma_start3A_34 = arith.constant 0 : i32
    %dma_start3A_35 = tpu.memref_slice %arg5[%dma_start3A_28, %dma_start3A_34] : memref<512x50xi32, #tpu.memory_space<vmem>> -> memref<1x50xi32, #tpu.memory_space<vmem>>
    %dma_start3A_36 = tpu.memref_squeeze %dma_start3A_35 : memref<1x50xi32, #tpu.memory_space<vmem>> -> memref<50xi32, #tpu.memory_space<vmem>>
    %dma_start3A_37 = arith.constant 0 : i32
    %dma_start3A_38 = arith.constant 0 : i32
    %dma_start3A_39 = tpu.memref_slice %arg3[%dma_start3A_37, %dma_start3A_38] : memref<1000000x32xf32, #tpu.memory_space<hbm>> -> memref<1000000x32xf32, #tpu.memory_space<hbm>>
    tpu.enqueue_indirect_dma source(%dma_start3A_39 : memref<1000000x32xf32, #tpu.memory_space<hbm>>) target(%dma_start3A_33 : memref<50x32xf32, #tpu.memory_space<vmem>>) offsets(%dma_start3A_36 : memref<50xi32, #tpu.memory_space<vmem>>) semaphore(%arg8 : memref<!tpu.dma_semaphore, #tpu.memory_space<semaphore_mem>>)
    %dma_start3A_40 = arith.constant 3 : i32
    %dma_start3A_41 = arith.constant 3 : i32
    %dma_start3A_42 = arith.constant 0 : i32
    %dma_start3A_43 = arith.constant 0 : i32
    %dma_start3A_44 = tpu.memref_slice %arg6[%dma_start3A_41, %dma_start3A_42, %dma_start3A_43] : memref<16x50x32xf32, #tpu.memory_space<vmem>> -> memref<1x50x32xf32, #tpu.memory_space<vmem>>
    %dma_start3A_45 = tpu.memref_squeeze %dma_start3A_44 : memref<1x50x32xf32, #tpu.memory_space<vmem>> -> memref<50x32xf32, #tpu.memory_space<vmem>>
    %dma_start3A_46 = arith.constant 0 : i32
    %dma_start3A_47 = tpu.memref_slice %arg5[%dma_start3A_40, %dma_start3A_46] : memref<512x50xi32, #tpu.memory_space<vmem>> -> memref<1x50xi32, #tpu.memory_space<vmem>>
    %dma_start3A_48 = tpu.memref_squeeze %dma_start3A_47 : memref<1x50xi32, #tpu.memory_space<vmem>> -> memref<50xi32, #tpu.memory_space<vmem>>
    %dma_start3A_49 = arith.constant 0 : i32
    %dma_start3A_50 = arith.constant 0 : i32
    %dma_start3A_51 = tpu.memref_slice %arg3[%dma_start3A_49, %dma_start3A_50] : memref<1000000x32xf32, #tpu.memory_space<hbm>> -> memref<1000000x32xf32, #tpu.memory_space<hbm>>
    tpu.enqueue_indirect_dma source(%dma_start3A_51 : memref<1000000x32xf32, #tpu.memory_space<hbm>>) target(%dma_start3A_45 : memref<50x32xf32, #tpu.memory_space<vmem>>) offsets(%dma_start3A_48 : memref<50xi32, #tpu.memory_space<vmem>>) semaphore(%arg8 : memref<!tpu.dma_semaphore, #tpu.memory_space<semaphore_mem>>)
    %dma_start3A_52 = arith.constant 4 : i32
    %dma_start3A_53 = arith.constant 4 : i32
    %dma_start3A_54 = arith.constant 0 : i32
    %dma_start3A_55 = arith.constant 0 : i32
    %dma_start3A_56 = tpu.memref_slice %arg6[%dma_start3A_53, %dma_start3A_54, %dma_start3A_55] : memref<16x50x32xf32, #tpu.memory_space<vmem>> -> memref<1x50x32xf32, #tpu.memory_space<vmem>>
    %dma_start3A_57 = tpu.memref_squeeze %dma_start3A_56 : memref<1x50x32xf32, #tpu.memory_space<vmem>> -> memref<50x32xf32, #tpu.memory_space<vmem>>
    %dma_start3A_58 = arith.constant 0 : i32
    %dma_start3A_59 = tpu.memref_slice %arg5[%dma_start3A_52, %dma_start3A_58] : memref<512x50xi32, #tpu.memory_space<vmem>> -> memref<1x50xi32, #tpu.memory_space<vmem>>
    %dma_start3A_60 = tpu.memref_squeeze %dma_start3A_59 : memref<1x50xi32, #tpu.memory_space<vmem>> -> memref<50xi32, #tpu.memory_space<vmem>>
    %dma_start3A_61 = arith.constant 0 : i32
    %dma_start3A_62 = arith.constant 0 : i32
    %dma_start3A_63 = tpu.memref_slice %arg3[%dma_start3A_61, %dma_start3A_62] : memref<1000000x32xf32, #tpu.memory_space<hbm>> -> memref<1000000x32xf32, #tpu.memory_space<hbm>>
    tpu.enqueue_indirect_dma source(%dma_start3A_63 : memref<1000000x32xf32, #tpu.memory_space<hbm>>) target(%dma_start3A_57 : memref<50x32xf32, #tpu.memory_space<vmem>>) offsets(%dma_start3A_60 : memref<50xi32, #tpu.memory_space<vmem>>) semaphore(%arg8 : memref<!tpu.dma_semaphore, #tpu.memory_space<semaphore_mem>>)
    %dma_start3A_64 = arith.constant 5 : i32
    %dma_start3A_65 = arith.constant 5 : i32
    %dma_start3A_66 = arith.constant 0 : i32
    %dma_start3A_67 = arith.constant 0 : i32
    %dma_start3A_68 = tpu.memref_slice %arg6[%dma_start3A_65, %dma_start3A_66, %dma_start3A_67] : memref<16x50x32xf32, #tpu.memory_space<vmem>> -> memref<1x50x32xf32, #tpu.memory_space<vmem>>
    %dma_start3A_69 = tpu.memref_squeeze %dma_start3A_68 : memref<1x50x32xf32, #tpu.memory_space<vmem>> -> memref<50x32xf32, #tpu.memory_space<vmem>>
    %dma_start3A_70 = arith.constant 0 : i32
    %dma_start3A_71 = tpu.memref_slice %arg5[%dma_start3A_64, %dma_start3A_70] : memref<512x50xi32, #tpu.memory_space<vmem>> -> memref<1x50xi32, #tpu.memory_space<vmem>>
    %dma_start3A_72 = tpu.memref_squeeze %dma_start3A_71 : memref<1x50xi32, #tpu.memory_space<vmem>> -> memref<50xi32, #tpu.memory_space<vmem>>
    %dma_start3A_73 = arith.constant 0 : i32
    %dma_start3A_74 = arith.constant 0 : i32
    %dma_start3A_75 = tpu.memref_slice %arg3[%dma_start3A_73, %dma_start3A_74] : memref<1000000x32xf32, #tpu.memory_space<hbm>> -> memref<1000000x32xf32, #tpu.memory_space<hbm>>
    tpu.enqueue_indirect_dma source(%dma_start3A_75 : memref<1000000x32xf32, #tpu.memory_space<hbm>>) target(%dma_start3A_69 : memref<50x32xf32, #tpu.memory_space<vmem>>) offsets(%dma_start3A_72 : memref<50xi32, #tpu.memory_space<vmem>>) semaphore(%arg8 : memref<!tpu.dma_semaphore, #tpu.memory_space<semaphore_mem>>)
    %dma_start3A_76 = arith.constant 6 : i32
    %dma_start3A_77 = arith.constant 6 : i32
    %dma_start3A_78 = arith.constant 0 : i32
    %dma_start3A_79 = arith.constant 0 : i32
    %dma_start3A_80 = tpu.memref_slice %arg6[%dma_start3A_77, %dma_start3A_78, %dma_start3A_79] : memref<16x50x32xf32, #tpu.memory_space<vmem>> -> memref<1x50x32xf32, #tpu.memory_space<vmem>>
    %dma_start3A_81 = tpu.memref_squeeze %dma_start3A_80 : memref<1x50x32xf32, #tpu.memory_space<vmem>> -> memref<50x32xf32, #tpu.memory_space<vmem>>
    %dma_start3A_82 = arith.constant 0 : i32
    %dma_start3A_83 = tpu.memref_slice %arg5[%dma_start3A_76, %dma_start3A_82] : memref<512x50xi32, #tpu.memory_space<vmem>> -> memref<1x50xi32, #tpu.memory_space<vmem>>
    %dma_start3A_84 = tpu.memref_squeeze %dma_start3A_83 : memref<1x50xi32, #tpu.memory_space<vmem>> -> memref<50xi32, #tpu.memory_space<vmem>>
    %dma_start3A_85 = arith.constant 0 : i32
    %dma_start3A_86 = arith.constant 0 : i32
    %dma_start3A_87 = tpu.memref_slice %arg3[%dma_start3A_85, %dma_start3A_86] : memref<1000000x32xf32, #tpu.memory_space<hbm>> -> memref<1000000x32xf32, #tpu.memory_space<hbm>>
    tpu.enqueue_indirect_dma source(%dma_start3A_87 : memref<1000000x32xf32, #tpu.memory_space<hbm>>) target(%dma_start3A_81 : memref<50x32xf32, #tpu.memory_space<vmem>>) offsets(%dma_start3A_84 : memref<50xi32, #tpu.memory_space<vmem>>) semaphore(%arg8 : memref<!tpu.dma_semaphore, #tpu.memory_space<semaphore_mem>>)
    %dma_start3A_88 = arith.constant 7 : i32
    %dma_start3A_89 = arith.constant 7 : i32
    %dma_start3A_90 = arith.constant 0 : i32
    %dma_start3A_91 = arith.constant 0 : i32
    %dma_start3A_92 = tpu.memref_slice %arg6[%dma_start3A_89, %dma_start3A_90, %dma_start3A_91] : memref<16x50x32xf32, #tpu.memory_space<vmem>> -> memref<1x50x32xf32, #tpu.memory_space<vmem>>
    %dma_start3A_93 = tpu.memref_squeeze %dma_start3A_92 : memref<1x50x32xf32, #tpu.memory_space<vmem>> -> memref<50x32xf32, #tpu.memory_space<vmem>>
    %dma_start3A_94 = arith.constant 0 : i32
    %dma_start3A_95 = tpu.memref_slice %arg5[%dma_start3A_88, %dma_start3A_94] : memref<512x50xi32, #tpu.memory_space<vmem>> -> memref<1x50xi32, #tpu.memory_space<vmem>>
    %dma_start3A_96 = tpu.memref_squeeze %dma_start3A_95 : memref<1x50xi32, #tpu.memory_space<vmem>> -> memref<50xi32, #tpu.memory_space<vmem>>
    %dma_start3A_97 = arith.constant 0 : i32
    %dma_start3A_98 = arith.constant 0 : i32
    %dma_start3A_99 = tpu.memref_slice %arg3[%dma_start3A_97, %dma_start3A_98] : memref<1000000x32xf32, #tpu.memory_space<hbm>> -> memref<1000000x32xf32, #tpu.memory_space<hbm>>
    tpu.enqueue_indirect_dma source(%dma_start3A_99 : memref<1000000x32xf32, #tpu.memory_space<hbm>>) target(%dma_start3A_93 : memref<50x32xf32, #tpu.memory_space<vmem>>) offsets(%dma_start3A_96 : memref<50xi32, #tpu.memory_space<vmem>>) semaphore(%arg8 : memref<!tpu.dma_semaphore, #tpu.memory_space<semaphore_mem>>)
    %dma_start3A_100 = arith.constant 8 : i32
    %dma_start3A_101 = arith.constant 8 : i32
    %dma_start3A_102 = arith.constant 0 : i32
    %dma_start3A_103 = arith.constant 0 : i32
    %dma_start3A_104 = tpu.memref_slice %arg6[%dma_start3A_101, %dma_start3A_102, %dma_start3A_103] : memref<16x50x32xf32, #tpu.memory_space<vmem>> -> memref<1x50x32xf32, #tpu.memory_space<vmem>>
    %dma_start3A_105 = tpu.memref_squeeze %dma_start3A_104 : memref<1x50x32xf32, #tpu.memory_space<vmem>> -> memref<50x32xf32, #tpu.memory_space<vmem>>
    %dma_start3A_106 = arith.constant 0 : i32
    %dma_start3A_107 = tpu.memref_slice %arg5[%dma_start3A_100, %dma_start3A_106] : memref<512x50xi32, #tpu.memory_space<vmem>> -> memref<1x50xi32, #tpu.memory_space<vmem>>
    %dma_start3A_108 = tpu.memref_squeeze %dma_start3A_107 : memref<1x50xi32, #tpu.memory_space<vmem>> -> memref<50xi32, #tpu.memory_space<vmem>>
    %dma_start3A_109 = arith.constant 0 : i32
    %dma_start3A_110 = arith.constant 0 : i32
    %dma_start3A_111 = tpu.memref_slice %arg3[%dma_start3A_109, %dma_start3A_110] : memref<1000000x32xf32, #tpu.memory_space<hbm>> -> memref<1000000x32xf32, #tpu.memory_space<hbm>>
    tpu.enqueue_indirect_dma source(%dma_start3A_111 : memref<1000000x32xf32, #tpu.memory_space<hbm>>) target(%dma_start3A_105 : memref<50x32xf32, #tpu.memory_space<vmem>>) offsets(%dma_start3A_108 : memref<50xi32, #tpu.memory_space<vmem>>) semaphore(%arg8 : memref<!tpu.dma_semaphore, #tpu.memory_space<semaphore_mem>>)
    %dma_start3A_112 = arith.constant 9 : i32
    %dma_start3A_113 = arith.constant 9 : i32
    %dma_start3A_114 = arith.constant 0 : i32
    %dma_start3A_115 = arith.constant 0 : i32
    %dma_start3A_116 = tpu.memref_slice %arg6[%dma_start3A_113, %dma_start3A_114, %dma_start3A_115] : memref<16x50x32xf32, #tpu.memory_space<vmem>> -> memref<1x50x32xf32, #tpu.memory_space<vmem>>
    %dma_start3A_117 = tpu.memref_squeeze %dma_start3A_116 : memref<1x50x32xf32, #tpu.memory_space<vmem>> -> memref<50x32xf32, #tpu.memory_space<vmem>>
    %dma_start3A_118 = arith.constant 0 : i32
    %dma_start3A_119 = tpu.memref_slice %arg5[%dma_start3A_112, %dma_start3A_118] : memref<512x50xi32, #tpu.memory_space<vmem>> -> memref<1x50xi32, #tpu.memory_space<vmem>>
    %dma_start3A_120 = tpu.memref_squeeze %dma_start3A_119 : memref<1x50xi32, #tpu.memory_space<vmem>> -> memref<50xi32, #tpu.memory_space<vmem>>
    %dma_start3A_121 = arith.constant 0 : i32
    %dma_start3A_122 = arith.constant 0 : i32
    %dma_start3A_123 = tpu.memref_slice %arg3[%dma_start3A_121, %dma_start3A_122] : memref<1000000x32xf32, #tpu.memory_space<hbm>> -> memref<1000000x32xf32, #tpu.memory_space<hbm>>
    tpu.enqueue_indirect_dma source(%dma_start3A_123 : memref<1000000x32xf32, #tpu.memory_space<hbm>>) target(%dma_start3A_117 : memref<50x32xf32, #tpu.memory_space<vmem>>) offsets(%dma_start3A_120 : memref<50xi32, #tpu.memory_space<vmem>>) semaphore(%arg8 : memref<!tpu.dma_semaphore, #tpu.memory_space<semaphore_mem>>)
    %dma_start3A_124 = arith.constant 10 : i32
    %dma_start3A_125 = arith.constant 10 : i32
    %dma_start3A_126 = arith.constant 0 : i32
    %dma_start3A_127 = arith.constant 0 : i32
    %dma_start3A_128 = tpu.memref_slice %arg6[%dma_start3A_125, %dma_start3A_126, %dma_start3A_127] : memref<16x50x32xf32, #tpu.memory_space<vmem>> -> memref<1x50x32xf32, #tpu.memory_space<vmem>>
    %dma_start3A_129 = tpu.memref_squeeze %dma_start3A_128 : memref<1x50x32xf32, #tpu.memory_space<vmem>> -> memref<50x32xf32, #tpu.memory_space<vmem>>
    %dma_start3A_130 = arith.constant 0 : i32
    %dma_start3A_131 = tpu.memref_slice %arg5[%dma_start3A_124, %dma_start3A_130] : memref<512x50xi32, #tpu.memory_space<vmem>> -> memref<1x50xi32, #tpu.memory_space<vmem>>
    %dma_start3A_132 = tpu.memref_squeeze %dma_start3A_131 : memref<1x50xi32, #tpu.memory_space<vmem>> -> memref<50xi32, #tpu.memory_space<vmem>>
    %dma_start3A_133 = arith.constant 0 : i32
    %dma_start3A_134 = arith.constant 0 : i32
    %dma_start3A_135 = tpu.memref_slice %arg3[%dma_start3A_133, %dma_start3A_134] : memref<1000000x32xf32, #tpu.memory_space<hbm>> -> memref<1000000x32xf32, #tpu.memory_space<hbm>>
    tpu.enqueue_indirect_dma source(%dma_start3A_135 : memref<1000000x32xf32, #tpu.memory_space<hbm>>) target(%dma_start3A_129 : memref<50x32xf32, #tpu.memory_space<vmem>>) offsets(%dma_start3A_132 : memref<50xi32, #tpu.memory_space<vmem>>) semaphore(%arg8 : memref<!tpu.dma_semaphore, #tpu.memory_space<semaphore_mem>>)
    %dma_start3A_136 = arith.constant 11 : i32
    %dma_start3A_137 = arith.constant 11 : i32
    %dma_start3A_138 = arith.constant 0 : i32
    %dma_start3A_139 = arith.constant 0 : i32
    %dma_start3A_140 = tpu.memref_slice %arg6[%dma_start3A_137, %dma_start3A_138, %dma_start3A_139] : memref<16x50x32xf32, #tpu.memory_space<vmem>> -> memref<1x50x32xf32, #tpu.memory_space<vmem>>
    %dma_start3A_141 = tpu.memref_squeeze %dma_start3A_140 : memref<1x50x32xf32, #tpu.memory_space<vmem>> -> memref<50x32xf32, #tpu.memory_space<vmem>>
    %dma_start3A_142 = arith.constant 0 : i32
    %dma_start3A_143 = tpu.memref_slice %arg5[%dma_start3A_136, %dma_start3A_142] : memref<512x50xi32, #tpu.memory_space<vmem>> -> memref<1x50xi32, #tpu.memory_space<vmem>>
    %dma_start3A_144 = tpu.memref_squeeze %dma_start3A_143 : memref<1x50xi32, #tpu.memory_space<vmem>> -> memref<50xi32, #tpu.memory_space<vmem>>
    %dma_start3A_145 = arith.constant 0 : i32
    %dma_start3A_146 = arith.constant 0 : i32
    %dma_start3A_147 = tpu.memref_slice %arg3[%dma_start3A_145, %dma_start3A_146] : memref<1000000x32xf32, #tpu.memory_space<hbm>> -> memref<1000000x32xf32, #tpu.memory_space<hbm>>
    tpu.enqueue_indirect_dma source(%dma_start3A_147 : memref<1000000x32xf32, #tpu.memory_space<hbm>>) target(%dma_start3A_141 : memref<50x32xf32, #tpu.memory_space<vmem>>) offsets(%dma_start3A_144 : memref<50xi32, #tpu.memory_space<vmem>>) semaphore(%arg8 : memref<!tpu.dma_semaphore, #tpu.memory_space<semaphore_mem>>)
    %dma_start3A_148 = arith.constant 12 : i32
    %dma_start3A_149 = arith.constant 12 : i32
    %dma_start3A_150 = arith.constant 0 : i32
    %dma_start3A_151 = arith.constant 0 : i32
    %dma_start3A_152 = tpu.memref_slice %arg6[%dma_start3A_149, %dma_start3A_150, %dma_start3A_151] : memref<16x50x32xf32, #tpu.memory_space<vmem>> -> memref<1x50x32xf32, #tpu.memory_space<vmem>>
    %dma_start3A_153 = tpu.memref_squeeze %dma_start3A_152 : memref<1x50x32xf32, #tpu.memory_space<vmem>> -> memref<50x32xf32, #tpu.memory_space<vmem>>
    %dma_start3A_154 = arith.constant 0 : i32
    %dma_start3A_155 = tpu.memref_slice %arg5[%dma_start3A_148, %dma_start3A_154] : memref<512x50xi32, #tpu.memory_space<vmem>> -> memref<1x50xi32, #tpu.memory_space<vmem>>
    %dma_start3A_156 = tpu.memref_squeeze %dma_start3A_155 : memref<1x50xi32, #tpu.memory_space<vmem>> -> memref<50xi32, #tpu.memory_space<vmem>>
    %dma_start3A_157 = arith.constant 0 : i32
    %dma_start3A_158 = arith.constant 0 : i32
    %dma_start3A_159 = tpu.memref_slice %arg3[%dma_start3A_157, %dma_start3A_158] : memref<1000000x32xf32, #tpu.memory_space<hbm>> -> memref<1000000x32xf32, #tpu.memory_space<hbm>>
    tpu.enqueue_indirect_dma source(%dma_start3A_159 : memref<1000000x32xf32, #tpu.memory_space<hbm>>) target(%dma_start3A_153 : memref<50x32xf32, #tpu.memory_space<vmem>>) offsets(%dma_start3A_156 : memref<50xi32, #tpu.memory_space<vmem>>) semaphore(%arg8 : memref<!tpu.dma_semaphore, #tpu.memory_space<semaphore_mem>>)
    %dma_start3A_160 = arith.constant 13 : i32
    %dma_start3A_161 = arith.constant 13 : i32
    %dma_start3A_162 = arith.constant 0 : i32
    %dma_start3A_163 = arith.constant 0 : i32
    %dma_start3A_164 = tpu.memref_slice %arg6[%dma_start3A_161, %dma_start3A_162, %dma_start3A_163] : memref<16x50x32xf32, #tpu.memory_space<vmem>> -> memref<1x50x32xf32, #tpu.memory_space<vmem>>
    %dma_start3A_165 = tpu.memref_squeeze %dma_start3A_164 : memref<1x50x32xf32, #tpu.memory_space<vmem>> -> memref<50x32xf32, #tpu.memory_space<vmem>>
    %dma_start3A_166 = arith.constant 0 : i32
    %dma_start3A_167 = tpu.memref_slice %arg5[%dma_start3A_160, %dma_start3A_166] : memref<512x50xi32, #tpu.memory_space<vmem>> -> memref<1x50xi32, #tpu.memory_space<vmem>>
    %dma_start3A_168 = tpu.memref_squeeze %dma_start3A_167 : memref<1x50xi32, #tpu.memory_space<vmem>> -> memref<50xi32, #tpu.memory_space<vmem>>
    %dma_start3A_169 = arith.constant 0 : i32
    %dma_start3A_170 = arith.constant 0 : i32
    %dma_start3A_171 = tpu.memref_slice %arg3[%dma_start3A_169, %dma_start3A_170] : memref<1000000x32xf32, #tpu.memory_space<hbm>> -> memref<1000000x32xf32, #tpu.memory_space<hbm>>
    tpu.enqueue_indirect_dma source(%dma_start3A_171 : memref<1000000x32xf32, #tpu.memory_space<hbm>>) target(%dma_start3A_165 : memref<50x32xf32, #tpu.memory_space<vmem>>) offsets(%dma_start3A_168 : memref<50xi32, #tpu.memory_space<vmem>>) semaphore(%arg8 : memref<!tpu.dma_semaphore, #tpu.memory_space<semaphore_mem>>)
    %dma_start3A_172 = arith.constant 14 : i32
    %dma_start3A_173 = arith.constant 14 : i32
    %dma_start3A_174 = arith.constant 0 : i32
    %dma_start3A_175 = arith.constant 0 : i32
    %dma_start3A_176 = tpu.memref_slice %arg6[%dma_start3A_173, %dma_start3A_174, %dma_start3A_175] : memref<16x50x32xf32, #tpu.memory_space<vmem>> -> memref<1x50x32xf32, #tpu.memory_space<vmem>>
    %dma_start3A_177 = tpu.memref_squeeze %dma_start3A_176 : memref<1x50x32xf32, #tpu.memory_space<vmem>> -> memref<50x32xf32, #tpu.memory_space<vmem>>
    %dma_start3A_178 = arith.constant 0 : i32
    %dma_start3A_179 = tpu.memref_slice %arg5[%dma_start3A_172, %dma_start3A_178] : memref<512x50xi32, #tpu.memory_space<vmem>> -> memref<1x50xi32, #tpu.memory_space<vmem>>
    %dma_start3A_180 = tpu.memref_squeeze %dma_start3A_179 : memref<1x50xi32, #tpu.memory_space<vmem>> -> memref<50xi32, #tpu.memory_space<vmem>>
    %dma_start3A_181 = arith.constant 0 : i32
    %dma_start3A_182 = arith.constant 0 : i32
    %dma_start3A_183 = tpu.memref_slice %arg3[%dma_start3A_181, %dma_start3A_182] : memref<1000000x32xf32, #tpu.memory_space<hbm>> -> memref<1000000x32xf32, #tpu.memory_space<hbm>>
    tpu.enqueue_indirect_dma source(%dma_start3A_183 : memref<1000000x32xf32, #tpu.memory_space<hbm>>) target(%dma_start3A_177 : memref<50x32xf32, #tpu.memory_space<vmem>>) offsets(%dma_start3A_180 : memref<50xi32, #tpu.memory_space<vmem>>) semaphore(%arg8 : memref<!tpu.dma_semaphore, #tpu.memory_space<semaphore_mem>>)
    %dma_start3A_184 = arith.constant 15 : i32
    %dma_start3A_185 = arith.constant 15 : i32
    %dma_start3A_186 = arith.constant 0 : i32
    %dma_start3A_187 = arith.constant 0 : i32
    %dma_start3A_188 = tpu.memref_slice %arg6[%dma_start3A_185, %dma_start3A_186, %dma_start3A_187] : memref<16x50x32xf32, #tpu.memory_space<vmem>> -> memref<1x50x32xf32, #tpu.memory_space<vmem>>
    %dma_start3A_189 = tpu.memref_squeeze %dma_start3A_188 : memref<1x50x32xf32, #tpu.memory_space<vmem>> -> memref<50x32xf32, #tpu.memory_space<vmem>>
    %dma_start3A_190 = arith.constant 0 : i32
    %dma_start3A_191 = tpu.memref_slice %arg5[%dma_start3A_184, %dma_start3A_190] : memref<512x50xi32, #tpu.memory_space<vmem>> -> memref<1x50xi32, #tpu.memory_space<vmem>>
    %dma_start3A_192 = tpu.memref_squeeze %dma_start3A_191 : memref<1x50xi32, #tpu.memory_space<vmem>> -> memref<50xi32, #tpu.memory_space<vmem>>
    %dma_start3A_193 = arith.constant 0 : i32
    %dma_start3A_194 = arith.constant 0 : i32
    %dma_start3A_195 = tpu.memref_slice %arg3[%dma_start3A_193, %dma_start3A_194] : memref<1000000x32xf32, #tpu.memory_space<hbm>> -> memref<1000000x32xf32, #tpu.memory_space<hbm>>
    tpu.enqueue_indirect_dma source(%dma_start3A_195 : memref<1000000x32xf32, #tpu.memory_space<hbm>>) target(%dma_start3A_189 : memref<50x32xf32, #tpu.memory_space<vmem>>) offsets(%dma_start3A_192 : memref<50xi32, #tpu.memory_space<vmem>>) semaphore(%arg8 : memref<!tpu.dma_semaphore, #tpu.memory_space<semaphore_mem>>)
    %scan3A = arith.constant 0 : i32
    %scan3A_196 = arith.constant 0 : i32
    %scan3A_197 = arith.constant 16 : i32
    %scan3A_198 = arith.addi %scan3A_196, %scan3A_197 : i32
    %scan3A_199 = arith.constant 1 : i32
    scf.for %scan3A_208 = %scan3A_196 to %scan3A_198 step %scan3A_199  : i32 {
      %mul3A_209 = arith.constant 2 : i32
      %mul3A_210 = arith.muli %scan3A_208, %mul3A_209 : i32
      %dma_wait3A_211 = arith.constant 0 : i32
      %dma_wait3A_212 = arith.constant 0 : i32
      %dma_wait3A_213 = arith.constant 0 : i32
      %dma_wait3A_214 = arith.constant 0 : i32
      %dma_wait3A_215 = tpu.memref_slice %arg6[%dma_wait3A_212, %dma_wait3A_213, %dma_wait3A_214] : memref<16x50x32xf32, #tpu.memory_space<vmem>> -> memref<1x50x32xf32, #tpu.memory_space<vmem>>
      %dma_wait3A_216 = tpu.memref_squeeze %dma_wait3A_215 : memref<1x50x32xf32, #tpu.memory_space<vmem>> -> memref<50x32xf32, #tpu.memory_space<vmem>>
      %dma_wait3A_217 = arith.constant 0 : i32
      %dma_wait3A_218 = tpu.memref_slice %arg5[%dma_wait3A_211, %dma_wait3A_217] : memref<512x50xi32, #tpu.memory_space<vmem>> -> memref<1x50xi32, #tpu.memory_space<vmem>>
      %dma_wait3A_219 = tpu.memref_squeeze %dma_wait3A_218 : memref<1x50xi32, #tpu.memory_space<vmem>> -> memref<50xi32, #tpu.memory_space<vmem>>
      %dma_wait3A_220 = arith.constant 0 : i32
      %dma_wait3A_221 = arith.constant 0 : i32
      %dma_wait3A_222 = tpu.memref_slice %arg3[%dma_wait3A_220, %dma_wait3A_221] : memref<1000000x32xf32, #tpu.memory_space<hbm>> -> memref<1000000x32xf32, #tpu.memory_space<hbm>>
      tpu.wait_indirect_dma semaphore(%arg8 : memref<!tpu.dma_semaphore, #tpu.memory_space<semaphore_mem>>) src(%dma_wait3A_222 : memref<1000000x32xf32, #tpu.memory_space<hbm>>) dst(%dma_wait3A_216 : memref<50x32xf32, #tpu.memory_space<vmem>>)
      %dma_wait3A_223 = arith.constant 0 : i32
      %dma_wait3A_224 = arith.constant 1 : i32
      %dma_wait3A_225 = arith.constant 0 : i32
      %dma_wait3A_226 = arith.constant 0 : i32
      %dma_wait3A_227 = tpu.memref_slice %arg6[%dma_wait3A_224, %dma_wait3A_225, %dma_wait3A_226] : memref<16x50x32xf32, #tpu.memory_space<vmem>> -> memref<1x50x32xf32, #tpu.memory_space<vmem>>
      %dma_wait3A_228 = tpu.memref_squeeze %dma_wait3A_227 : memref<1x50x32xf32, #tpu.memory_space<vmem>> -> memref<50x32xf32, #tpu.memory_space<vmem>>
      %dma_wait3A_229 = arith.constant 0 : i32
      %dma_wait3A_230 = tpu.memref_slice %arg5[%dma_wait3A_223, %dma_wait3A_229] : memref<512x50xi32, #tpu.memory_space<vmem>> -> memref<1x50xi32, #tpu.memory_space<vmem>>
      %dma_wait3A_231 = tpu.memref_squeeze %dma_wait3A_230 : memref<1x50xi32, #tpu.memory_space<vmem>> -> memref<50xi32, #tpu.memory_space<vmem>>
      %dma_wait3A_232 = arith.constant 0 : i32
      %dma_wait3A_233 = arith.constant 0 : i32
      %dma_wait3A_234 = tpu.memref_slice %arg3[%dma_wait3A_232, %dma_wait3A_233] : memref<1000000x32xf32, #tpu.memory_space<hbm>> -> memref<1000000x32xf32, #tpu.memory_space<hbm>>
      tpu.wait_indirect_dma semaphore(%arg8 : memref<!tpu.dma_semaphore, #tpu.memory_space<semaphore_mem>>) src(%dma_wait3A_234 : memref<1000000x32xf32, #tpu.memory_space<hbm>>) dst(%dma_wait3A_228 : memref<50x32xf32, #tpu.memory_space<vmem>>)
      %dma_wait3A_235 = arith.constant 0 : i32
      %dma_wait3A_236 = arith.constant 2 : i32
      %dma_wait3A_237 = arith.constant 0 : i32
      %dma_wait3A_238 = arith.constant 0 : i32
      %dma_wait3A_239 = tpu.memref_slice %arg6[%dma_wait3A_236, %dma_wait3A_237, %dma_wait3A_238] : memref<16x50x32xf32, #tpu.memory_space<vmem>> -> memref<1x50x32xf32, #tpu.memory_space<vmem>>
      %dma_wait3A_240 = tpu.memref_squeeze %dma_wait3A_239 : memref<1x50x32xf32, #tpu.memory_space<vmem>> -> memref<50x32xf32, #tpu.memory_space<vmem>>
      %dma_wait3A_241 = arith.constant 0 : i32
      %dma_wait3A_242 = tpu.memref_slice %arg5[%dma_wait3A_235, %dma_wait3A_241] : memref<512x50xi32, #tpu.memory_space<vmem>> -> memref<1x50xi32, #tpu.memory_space<vmem>>
      %dma_wait3A_243 = tpu.memref_squeeze %dma_wait3A_242 : memref<1x50xi32, #tpu.memory_space<vmem>> -> memref<50xi32, #tpu.memory_space<vmem>>
      %dma_wait3A_244 = arith.constant 0 : i32
      %dma_wait3A_245 = arith.constant 0 : i32
      %dma_wait3A_246 = tpu.memref_slice %arg3[%dma_wait3A_244, %dma_wait3A_245] : memref<1000000x32xf32, #tpu.memory_space<hbm>> -> memref<1000000x32xf32, #tpu.memory_space<hbm>>
      tpu.wait_indirect_dma semaphore(%arg8 : memref<!tpu.dma_semaphore, #tpu.memory_space<semaphore_mem>>) src(%dma_wait3A_246 : memref<1000000x32xf32, #tpu.memory_space<hbm>>) dst(%dma_wait3A_240 : memref<50x32xf32, #tpu.memory_space<vmem>>)
      %dma_wait3A_247 = arith.constant 0 : i32
      %dma_wait3A_248 = arith.constant 3 : i32
      %dma_wait3A_249 = arith.constant 0 : i32
      %dma_wait3A_250 = arith.constant 0 : i32
      %dma_wait3A_251 = tpu.memref_slice %arg6[%dma_wait3A_248, %dma_wait3A_249, %dma_wait3A_250] : memref<16x50x32xf32, #tpu.memory_space<vmem>> -> memref<1x50x32xf32, #tpu.memory_space<vmem>>
      %dma_wait3A_252 = tpu.memref_squeeze %dma_wait3A_251 : memref<1x50x32xf32, #tpu.memory_space<vmem>> -> memref<50x32xf32, #tpu.memory_space<vmem>>
      %dma_wait3A_253 = arith.constant 0 : i32
      %dma_wait3A_254 = tpu.memref_slice %arg5[%dma_wait3A_247, %dma_wait3A_253] : memref<512x50xi32, #tpu.memory_space<vmem>> -> memref<1x50xi32, #tpu.memory_space<vmem>>
      %dma_wait3A_255 = tpu.memref_squeeze %dma_wait3A_254 : memref<1x50xi32, #tpu.memory_space<vmem>> -> memref<50xi32, #tpu.memory_space<vmem>>
      %dma_wait3A_256 = arith.constant 0 : i32
      %dma_wait3A_257 = arith.constant 0 : i32
      %dma_wait3A_258 = tpu.memref_slice %arg3[%dma_wait3A_256, %dma_wait3A_257] : memref<1000000x32xf32, #tpu.memory_space<hbm>> -> memref<1000000x32xf32, #tpu.memory_space<hbm>>
      tpu.wait_indirect_dma semaphore(%arg8 : memref<!tpu.dma_semaphore, #tpu.memory_space<semaphore_mem>>) src(%dma_wait3A_258 : memref<1000000x32xf32, #tpu.memory_space<hbm>>) dst(%dma_wait3A_252 : memref<50x32xf32, #tpu.memory_space<vmem>>)
      %dma_wait3A_259 = arith.constant 0 : i32
      %dma_wait3A_260 = arith.constant 4 : i32
      %dma_wait3A_261 = arith.constant 0 : i32
      %dma_wait3A_262 = arith.constant 0 : i32
      %dma_wait3A_263 = tpu.memref_slice %arg6[%dma_wait3A_260, %dma_wait3A_261, %dma_wait3A_262] : memref<16x50x32xf32, #tpu.memory_space<vmem>> -> memref<1x50x32xf32, #tpu.memory_space<vmem>>
      %dma_wait3A_264 = tpu.memref_squeeze %dma_wait3A_263 : memref<1x50x32xf32, #tpu.memory_space<vmem>> -> memref<50x32xf32, #tpu.memory_space<vmem>>
      %dma_wait3A_265 = arith.constant 0 : i32
      %dma_wait3A_266 = tpu.memref_slice %arg5[%dma_wait3A_259, %dma_wait3A_265] : memref<512x50xi32, #tpu.memory_space<vmem>> -> memref<1x50xi32, #tpu.memory_space<vmem>>
      %dma_wait3A_267 = tpu.memref_squeeze %dma_wait3A_266 : memref<1x50xi32, #tpu.memory_space<vmem>> -> memref<50xi32, #tpu.memory_space<vmem>>
      %dma_wait3A_268 = arith.constant 0 : i32
      %dma_wait3A_269 = arith.constant 0 : i32
      %dma_wait3A_270 = tpu.memref_slice %arg3[%dma_wait3A_268, %dma_wait3A_269] : memref<1000000x32xf32, #tpu.memory_space<hbm>> -> memref<1000000x32xf32, #tpu.memory_space<hbm>>
      tpu.wait_indirect_dma semaphore(%arg8 : memref<!tpu.dma_semaphore, #tpu.memory_space<semaphore_mem>>) src(%dma_wait3A_270 : memref<1000000x32xf32, #tpu.memory_space<hbm>>) dst(%dma_wait3A_264 : memref<50x32xf32, #tpu.memory_space<vmem>>)
      %dma_wait3A_271 = arith.constant 0 : i32
      %dma_wait3A_272 = arith.constant 5 : i32
      %dma_wait3A_273 = arith.constant 0 : i32
      %dma_wait3A_274 = arith.constant 0 : i32
      %dma_wait3A_275 = tpu.memref_slice %arg6[%dma_wait3A_272, %dma_wait3A_273, %dma_wait3A_274] : memref<16x50x32xf32, #tpu.memory_space<vmem>> -> memref<1x50x32xf32, #tpu.memory_space<vmem>>
      %dma_wait3A_276 = tpu.memref_squeeze %dma_wait3A_275 : memref<1x50x32xf32, #tpu.memory_space<vmem>> -> memref<50x32xf32, #tpu.memory_space<vmem>>
      %dma_wait3A_277 = arith.constant 0 : i32
      %dma_wait3A_278 = tpu.memref_slice %arg5[%dma_wait3A_271, %dma_wait3A_277] : memref<512x50xi32, #tpu.memory_space<vmem>> -> memref<1x50xi32, #tpu.memory_space<vmem>>
      %dma_wait3A_279 = tpu.memref_squeeze %dma_wait3A_278 : memref<1x50xi32, #tpu.memory_space<vmem>> -> memref<50xi32, #tpu.memory_space<vmem>>
      %dma_wait3A_280 = arith.constant 0 : i32
      %dma_wait3A_281 = arith.constant 0 : i32
      %dma_wait3A_282 = tpu.memref_slice %arg3[%dma_wait3A_280, %dma_wait3A_281] : memref<1000000x32xf32, #tpu.memory_space<hbm>> -> memref<1000000x32xf32, #tpu.memory_space<hbm>>
      tpu.wait_indirect_dma semaphore(%arg8 : memref<!tpu.dma_semaphore, #tpu.memory_space<semaphore_mem>>) src(%dma_wait3A_282 : memref<1000000x32xf32, #tpu.memory_space<hbm>>) dst(%dma_wait3A_276 : memref<50x32xf32, #tpu.memory_space<vmem>>)
      %dma_wait3A_283 = arith.constant 0 : i32
      %dma_wait3A_284 = arith.constant 6 : i32
      %dma_wait3A_285 = arith.constant 0 : i32
      %dma_wait3A_286 = arith.constant 0 : i32
      %dma_wait3A_287 = tpu.memref_slice %arg6[%dma_wait3A_284, %dma_wait3A_285, %dma_wait3A_286] : memref<16x50x32xf32, #tpu.memory_space<vmem>> -> memref<1x50x32xf32, #tpu.memory_space<vmem>>
      %dma_wait3A_288 = tpu.memref_squeeze %dma_wait3A_287 : memref<1x50x32xf32, #tpu.memory_space<vmem>> -> memref<50x32xf32, #tpu.memory_space<vmem>>
      %dma_wait3A_289 = arith.constant 0 : i32
      %dma_wait3A_290 = tpu.memref_slice %arg5[%dma_wait3A_283, %dma_wait3A_289] : memref<512x50xi32, #tpu.memory_space<vmem>> -> memref<1x50xi32, #tpu.memory_space<vmem>>
      %dma_wait3A_291 = tpu.memref_squeeze %dma_wait3A_290 : memref<1x50xi32, #tpu.memory_space<vmem>> -> memref<50xi32, #tpu.memory_space<vmem>>
      %dma_wait3A_292 = arith.constant 0 : i32
      %dma_wait3A_293 = arith.constant 0 : i32
      %dma_wait3A_294 = tpu.memref_slice %arg3[%dma_wait3A_292, %dma_wait3A_293] : memref<1000000x32xf32, #tpu.memory_space<hbm>> -> memref<1000000x32xf32, #tpu.memory_space<hbm>>
      tpu.wait_indirect_dma semaphore(%arg8 : memref<!tpu.dma_semaphore, #tpu.memory_space<semaphore_mem>>) src(%dma_wait3A_294 : memref<1000000x32xf32, #tpu.memory_space<hbm>>) dst(%dma_wait3A_288 : memref<50x32xf32, #tpu.memory_space<vmem>>)
      %dma_wait3A_295 = arith.constant 0 : i32
      %dma_wait3A_296 = arith.constant 7 : i32
      %dma_wait3A_297 = arith.constant 0 : i32
      %dma_wait3A_298 = arith.constant 0 : i32
      %dma_wait3A_299 = tpu.memref_slice %arg6[%dma_wait3A_296, %dma_wait3A_297, %dma_wait3A_298] : memref<16x50x32xf32, #tpu.memory_space<vmem>> -> memref<1x50x32xf32, #tpu.memory_space<vmem>>
      %dma_wait3A_300 = tpu.memref_squeeze %dma_wait3A_299 : memref<1x50x32xf32, #tpu.memory_space<vmem>> -> memref<50x32xf32, #tpu.memory_space<vmem>>
      %dma_wait3A_301 = arith.constant 0 : i32
      %dma_wait3A_302 = tpu.memref_slice %arg5[%dma_wait3A_295, %dma_wait3A_301] : memref<512x50xi32, #tpu.memory_space<vmem>> -> memref<1x50xi32, #tpu.memory_space<vmem>>
      %dma_wait3A_303 = tpu.memref_squeeze %dma_wait3A_302 : memref<1x50xi32, #tpu.memory_space<vmem>> -> memref<50xi32, #tpu.memory_space<vmem>>
      %dma_wait3A_304 = arith.constant 0 : i32
      %dma_wait3A_305 = arith.constant 0 : i32
      %dma_wait3A_306 = tpu.memref_slice %arg3[%dma_wait3A_304, %dma_wait3A_305] : memref<1000000x32xf32, #tpu.memory_space<hbm>> -> memref<1000000x32xf32, #tpu.memory_space<hbm>>
      tpu.wait_indirect_dma semaphore(%arg8 : memref<!tpu.dma_semaphore, #tpu.memory_space<semaphore_mem>>) src(%dma_wait3A_306 : memref<1000000x32xf32, #tpu.memory_space<hbm>>) dst(%dma_wait3A_300 : memref<50x32xf32, #tpu.memory_space<vmem>>)
      %dma_wait3A_307 = arith.constant 0 : i32
      %dma_wait3A_308 = arith.constant 8 : i32
      %dma_wait3A_309 = arith.constant 0 : i32
      %dma_wait3A_310 = arith.constant 0 : i32
      %dma_wait3A_311 = tpu.memref_slice %arg6[%dma_wait3A_308, %dma_wait3A_309, %dma_wait3A_310] : memref<16x50x32xf32, #tpu.memory_space<vmem>> -> memref<1x50x32xf32, #tpu.memory_space<vmem>>
      %dma_wait3A_312 = tpu.memref_squeeze %dma_wait3A_311 : memref<1x50x32xf32, #tpu.memory_space<vmem>> -> memref<50x32xf32, #tpu.memory_space<vmem>>
      %dma_wait3A_313 = arith.constant 0 : i32
      %dma_wait3A_314 = tpu.memref_slice %arg5[%dma_wait3A_307, %dma_wait3A_313] : memref<512x50xi32, #tpu.memory_space<vmem>> -> memref<1x50xi32, #tpu.memory_space<vmem>>
      %dma_wait3A_315 = tpu.memref_squeeze %dma_wait3A_314 : memref<1x50xi32, #tpu.memory_space<vmem>> -> memref<50xi32, #tpu.memory_space<vmem>>
      %dma_wait3A_316 = arith.constant 0 : i32
      %dma_wait3A_317 = arith.constant 0 : i32
      %dma_wait3A_318 = tpu.memref_slice %arg3[%dma_wait3A_316, %dma_wait3A_317] : memref<1000000x32xf32, #tpu.memory_space<hbm>> -> memref<1000000x32xf32, #tpu.memory_space<hbm>>
      tpu.wait_indirect_dma semaphore(%arg8 : memref<!tpu.dma_semaphore, #tpu.memory_space<semaphore_mem>>) src(%dma_wait3A_318 : memref<1000000x32xf32, #tpu.memory_space<hbm>>) dst(%dma_wait3A_312 : memref<50x32xf32, #tpu.memory_space<vmem>>)
      %dma_wait3A_319 = arith.constant 0 : i32
      %dma_wait3A_320 = arith.constant 9 : i32
      %dma_wait3A_321 = arith.constant 0 : i32
      %dma_wait3A_322 = arith.constant 0 : i32
      %dma_wait3A_323 = tpu.memref_slice %arg6[%dma_wait3A_320, %dma_wait3A_321, %dma_wait3A_322] : memref<16x50x32xf32, #tpu.memory_space<vmem>> -> memref<1x50x32xf32, #tpu.memory_space<vmem>>
      %dma_wait3A_324 = tpu.memref_squeeze %dma_wait3A_323 : memref<1x50x32xf32, #tpu.memory_space<vmem>> -> memref<50x32xf32, #tpu.memory_space<vmem>>
      %dma_wait3A_325 = arith.constant 0 : i32
      %dma_wait3A_326 = tpu.memref_slice %arg5[%dma_wait3A_319, %dma_wait3A_325] : memref<512x50xi32, #tpu.memory_space<vmem>> -> memref<1x50xi32, #tpu.memory_space<vmem>>
      %dma_wait3A_327 = tpu.memref_squeeze %dma_wait3A_326 : memref<1x50xi32, #tpu.memory_space<vmem>> -> memref<50xi32, #tpu.memory_space<vmem>>
      %dma_wait3A_328 = arith.constant 0 : i32
      %dma_wait3A_329 = arith.constant 0 : i32
      %dma_wait3A_330 = tpu.memref_slice %arg3[%dma_wait3A_328, %dma_wait3A_329] : memref<1000000x32xf32, #tpu.memory_space<hbm>> -> memref<1000000x32xf32, #tpu.memory_space<hbm>>
      tpu.wait_indirect_dma semaphore(%arg8 : memref<!tpu.dma_semaphore, #tpu.memory_space<semaphore_mem>>) src(%dma_wait3A_330 : memref<1000000x32xf32, #tpu.memory_space<hbm>>) dst(%dma_wait3A_324 : memref<50x32xf32, #tpu.memory_space<vmem>>)
      %dma_wait3A_331 = arith.constant 0 : i32
      %dma_wait3A_332 = arith.constant 10 : i32
      %dma_wait3A_333 = arith.constant 0 : i32
      %dma_wait3A_334 = arith.constant 0 : i32
      %dma_wait3A_335 = tpu.memref_slice %arg6[%dma_wait3A_332, %dma_wait3A_333, %dma_wait3A_334] : memref<16x50x32xf32, #tpu.memory_space<vmem>> -> memref<1x50x32xf32, #tpu.memory_space<vmem>>
      %dma_wait3A_336 = tpu.memref_squeeze %dma_wait3A_335 : memref<1x50x32xf32, #tpu.memory_space<vmem>> -> memref<50x32xf32, #tpu.memory_space<vmem>>
      %dma_wait3A_337 = arith.constant 0 : i32
      %dma_wait3A_338 = tpu.memref_slice %arg5[%dma_wait3A_331, %dma_wait3A_337] : memref<512x50xi32, #tpu.memory_space<vmem>> -> memref<1x50xi32, #tpu.memory_space<vmem>>
      %dma_wait3A_339 = tpu.memref_squeeze %dma_wait3A_338 : memref<1x50xi32, #tpu.memory_space<vmem>> -> memref<50xi32, #tpu.memory_space<vmem>>
      %dma_wait3A_340 = arith.constant 0 : i32
      %dma_wait3A_341 = arith.constant 0 : i32
      %dma_wait3A_342 = tpu.memref_slice %arg3[%dma_wait3A_340, %dma_wait3A_341] : memref<1000000x32xf32, #tpu.memory_space<hbm>> -> memref<1000000x32xf32, #tpu.memory_space<hbm>>
      tpu.wait_indirect_dma semaphore(%arg8 : memref<!tpu.dma_semaphore, #tpu.memory_space<semaphore_mem>>) src(%dma_wait3A_342 : memref<1000000x32xf32, #tpu.memory_space<hbm>>) dst(%dma_wait3A_336 : memref<50x32xf32, #tpu.memory_space<vmem>>)
      %dma_wait3A_343 = arith.constant 0 : i32
      %dma_wait3A_344 = arith.constant 11 : i32
      %dma_wait3A_345 = arith.constant 0 : i32
      %dma_wait3A_346 = arith.constant 0 : i32
      %dma_wait3A_347 = tpu.memref_slice %arg6[%dma_wait3A_344, %dma_wait3A_345, %dma_wait3A_346] : memref<16x50x32xf32, #tpu.memory_space<vmem>> -> memref<1x50x32xf32, #tpu.memory_space<vmem>>
      %dma_wait3A_348 = tpu.memref_squeeze %dma_wait3A_347 : memref<1x50x32xf32, #tpu.memory_space<vmem>> -> memref<50x32xf32, #tpu.memory_space<vmem>>
      %dma_wait3A_349 = arith.constant 0 : i32
      %dma_wait3A_350 = tpu.memref_slice %arg5[%dma_wait3A_343, %dma_wait3A_349] : memref<512x50xi32, #tpu.memory_space<vmem>> -> memref<1x50xi32, #tpu.memory_space<vmem>>
      %dma_wait3A_351 = tpu.memref_squeeze %dma_wait3A_350 : memref<1x50xi32, #tpu.memory_space<vmem>> -> memref<50xi32, #tpu.memory_space<vmem>>
      %dma_wait3A_352 = arith.constant 0 : i32
      %dma_wait3A_353 = arith.constant 0 : i32
      %dma_wait3A_354 = tpu.memref_slice %arg3[%dma_wait3A_352, %dma_wait3A_353] : memref<1000000x32xf32, #tpu.memory_space<hbm>> -> memref<1000000x32xf32, #tpu.memory_space<hbm>>
      tpu.wait_indirect_dma semaphore(%arg8 : memref<!tpu.dma_semaphore, #tpu.memory_space<semaphore_mem>>) src(%dma_wait3A_354 : memref<1000000x32xf32, #tpu.memory_space<hbm>>) dst(%dma_wait3A_348 : memref<50x32xf32, #tpu.memory_space<vmem>>)
      %dma_wait3A_355 = arith.constant 0 : i32
      %dma_wait3A_356 = arith.constant 12 : i32
      %dma_wait3A_357 = arith.constant 0 : i32
      %dma_wait3A_358 = arith.constant 0 : i32
      %dma_wait3A_359 = tpu.memref_slice %arg6[%dma_wait3A_356, %dma_wait3A_357, %dma_wait3A_358] : memref<16x50x32xf32, #tpu.memory_space<vmem>> -> memref<1x50x32xf32, #tpu.memory_space<vmem>>
      %dma_wait3A_360 = tpu.memref_squeeze %dma_wait3A_359 : memref<1x50x32xf32, #tpu.memory_space<vmem>> -> memref<50x32xf32, #tpu.memory_space<vmem>>
      %dma_wait3A_361 = arith.constant 0 : i32
      %dma_wait3A_362 = tpu.memref_slice %arg5[%dma_wait3A_355, %dma_wait3A_361] : memref<512x50xi32, #tpu.memory_space<vmem>> -> memref<1x50xi32, #tpu.memory_space<vmem>>
      %dma_wait3A_363 = tpu.memref_squeeze %dma_wait3A_362 : memref<1x50xi32, #tpu.memory_space<vmem>> -> memref<50xi32, #tpu.memory_space<vmem>>
      %dma_wait3A_364 = arith.constant 0 : i32
      %dma_wait3A_365 = arith.constant 0 : i32
      %dma_wait3A_366 = tpu.memref_slice %arg3[%dma_wait3A_364, %dma_wait3A_365] : memref<1000000x32xf32, #tpu.memory_space<hbm>> -> memref<1000000x32xf32, #tpu.memory_space<hbm>>
      tpu.wait_indirect_dma semaphore(%arg8 : memref<!tpu.dma_semaphore, #tpu.memory_space<semaphore_mem>>) src(%dma_wait3A_366 : memref<1000000x32xf32, #tpu.memory_space<hbm>>) dst(%dma_wait3A_360 : memref<50x32xf32, #tpu.memory_space<vmem>>)
      %dma_wait3A_367 = arith.constant 0 : i32
      %dma_wait3A_368 = arith.constant 13 : i32
      %dma_wait3A_369 = arith.constant 0 : i32
      %dma_wait3A_370 = arith.constant 0 : i32
      %dma_wait3A_371 = tpu.memref_slice %arg6[%dma_wait3A_368, %dma_wait3A_369, %dma_wait3A_370] : memref<16x50x32xf32, #tpu.memory_space<vmem>> -> memref<1x50x32xf32, #tpu.memory_space<vmem>>
      %dma_wait3A_372 = tpu.memref_squeeze %dma_wait3A_371 : memref<1x50x32xf32, #tpu.memory_space<vmem>> -> memref<50x32xf32, #tpu.memory_space<vmem>>
      %dma_wait3A_373 = arith.constant 0 : i32
      %dma_wait3A_374 = tpu.memref_slice %arg5[%dma_wait3A_367, %dma_wait3A_373] : memref<512x50xi32, #tpu.memory_space<vmem>> -> memref<1x50xi32, #tpu.memory_space<vmem>>
      %dma_wait3A_375 = tpu.memref_squeeze %dma_wait3A_374 : memref<1x50xi32, #tpu.memory_space<vmem>> -> memref<50xi32, #tpu.memory_space<vmem>>
      %dma_wait3A_376 = arith.constant 0 : i32
      %dma_wait3A_377 = arith.constant 0 : i32
      %dma_wait3A_378 = tpu.memref_slice %arg3[%dma_wait3A_376, %dma_wait3A_377] : memref<1000000x32xf32, #tpu.memory_space<hbm>> -> memref<1000000x32xf32, #tpu.memory_space<hbm>>
      tpu.wait_indirect_dma semaphore(%arg8 : memref<!tpu.dma_semaphore, #tpu.memory_space<semaphore_mem>>) src(%dma_wait3A_378 : memref<1000000x32xf32, #tpu.memory_space<hbm>>) dst(%dma_wait3A_372 : memref<50x32xf32, #tpu.memory_space<vmem>>)
      %dma_wait3A_379 = arith.constant 0 : i32
      %dma_wait3A_380 = arith.constant 14 : i32
      %dma_wait3A_381 = arith.constant 0 : i32
      %dma_wait3A_382 = arith.constant 0 : i32
      %dma_wait3A_383 = tpu.memref_slice %arg6[%dma_wait3A_380, %dma_wait3A_381, %dma_wait3A_382] : memref<16x50x32xf32, #tpu.memory_space<vmem>> -> memref<1x50x32xf32, #tpu.memory_space<vmem>>
      %dma_wait3A_384 = tpu.memref_squeeze %dma_wait3A_383 : memref<1x50x32xf32, #tpu.memory_space<vmem>> -> memref<50x32xf32, #tpu.memory_space<vmem>>
      %dma_wait3A_385 = arith.constant 0 : i32
      %dma_wait3A_386 = tpu.memref_slice %arg5[%dma_wait3A_379, %dma_wait3A_385] : memref<512x50xi32, #tpu.memory_space<vmem>> -> memref<1x50xi32, #tpu.memory_space<vmem>>
      %dma_wait3A_387 = tpu.memref_squeeze %dma_wait3A_386 : memref<1x50xi32, #tpu.memory_space<vmem>> -> memref<50xi32, #tpu.memory_space<vmem>>
      %dma_wait3A_388 = arith.constant 0 : i32
      %dma_wait3A_389 = arith.constant 0 : i32
      %dma_wait3A_390 = tpu.memref_slice %arg3[%dma_wait3A_388, %dma_wait3A_389] : memref<1000000x32xf32, #tpu.memory_space<hbm>> -> memref<1000000x32xf32, #tpu.memory_space<hbm>>
      tpu.wait_indirect_dma semaphore(%arg8 : memref<!tpu.dma_semaphore, #tpu.memory_space<semaphore_mem>>) src(%dma_wait3A_390 : memref<1000000x32xf32, #tpu.memory_space<hbm>>) dst(%dma_wait3A_384 : memref<50x32xf32, #tpu.memory_space<vmem>>)
      %dma_wait3A_391 = arith.constant 0 : i32
      %dma_wait3A_392 = arith.constant 15 : i32
      %dma_wait3A_393 = arith.constant 0 : i32
      %dma_wait3A_394 = arith.constant 0 : i32
      %dma_wait3A_395 = tpu.memref_slice %arg6[%dma_wait3A_392, %dma_wait3A_393, %dma_wait3A_394] : memref<16x50x32xf32, #tpu.memory_space<vmem>> -> memref<1x50x32xf32, #tpu.memory_space<vmem>>
      %dma_wait3A_396 = tpu.memref_squeeze %dma_wait3A_395 : memref<1x50x32xf32, #tpu.memory_space<vmem>> -> memref<50x32xf32, #tpu.memory_space<vmem>>
      %dma_wait3A_397 = arith.constant 0 : i32
      %dma_wait3A_398 = tpu.memref_slice %arg5[%dma_wait3A_391, %dma_wait3A_397] : memref<512x50xi32, #tpu.memory_space<vmem>> -> memref<1x50xi32, #tpu.memory_space<vmem>>
      %dma_wait3A_399 = tpu.memref_squeeze %dma_wait3A_398 : memref<1x50xi32, #tpu.memory_space<vmem>> -> memref<50xi32, #tpu.memory_space<vmem>>
      %dma_wait3A_400 = arith.constant 0 : i32
      %dma_wait3A_401 = arith.constant 0 : i32
      %dma_wait3A_402 = tpu.memref_slice %arg3[%dma_wait3A_400, %dma_wait3A_401] : memref<1000000x32xf32, #tpu.memory_space<hbm>> -> memref<1000000x32xf32, #tpu.memory_space<hbm>>
      tpu.wait_indirect_dma semaphore(%arg8 : memref<!tpu.dma_semaphore, #tpu.memory_space<semaphore_mem>>) src(%dma_wait3A_402 : memref<1000000x32xf32, #tpu.memory_space<hbm>>) dst(%dma_wait3A_396 : memref<50x32xf32, #tpu.memory_space<vmem>>)
      %gt3A = arith.constant 0 : i32
      %gt3A_403 = arith.cmpi sgt, %scan3A_208, %gt3A : i32
      %convert_element_type3A = arith.extui %gt3A_403 : i1 to i32
      %cond3A = arith.constant 0 : i32
      %cond3A_404 = arith.cmpi ne, %convert_element_type3A, %cond3A : i32
      scf.if %cond3A_404 {
        %dma_wait3A_871 = arith.constant 0 : i32
        %dma_wait3A_872 = arith.constant 0 : i32
        %dma_wait3A_873 = arith.constant 0 : i32
        %dma_wait3A_874 = tpu.memref_slice %arg4[%dma_wait3A_871, %dma_wait3A_872, %dma_wait3A_873] : memref<16384x50x32xf32, #tpu.memory_space<hbm>> -> memref<16x50x32xf32, #tpu.memory_space<hbm>>
        %dma_wait3A_875 = arith.constant 0 : i32
        %dma_wait3A_876 = arith.constant 0 : i32
        %dma_wait3A_877 = arith.constant 0 : i32
        %dma_wait3A_878 = tpu.memref_slice %arg4[%dma_wait3A_875, %dma_wait3A_876, %dma_wait3A_877] : memref<16384x50x32xf32, #tpu.memory_space<hbm>> -> memref<16x50x32xf32, #tpu.memory_space<hbm>>
        tpu.wait_dma2 semaphore(%arg11 : memref<!tpu.dma_semaphore, #tpu.memory_space<semaphore_mem>>) src(%arg7 : memref<16x50x32xf32, #tpu.memory_space<vmem>>) dst(%dma_wait3A_878 : memref<16x50x32xf32, #tpu.memory_space<hbm>>)
      } else {
      }
      %add3A_405 = arith.constant 1 : i32
      %add3A_406 = arith.addi %mul3A_210, %add3A_405 : i32
      %mul3A_407 = arith.constant 16 : i32
      %mul3A_408 = arith.muli %add3A_406, %mul3A_407 : i32
      %add3A_409 = arith.constant 0 : i32
      %add3A_410 = arith.addi %mul3A_408, %add3A_409 : i32
      %dma_start3A_411 = arith.constant 0 : i32
      %dma_start3A_412 = arith.constant 0 : i32
      %dma_start3A_413 = arith.constant 0 : i32
      %dma_start3A_414 = tpu.memref_slice %arg7[%dma_start3A_411, %dma_start3A_412, %dma_start3A_413] : memref<16x50x32xf32, #tpu.memory_space<vmem>> -> memref<1x50x32xf32, #tpu.memory_space<vmem>>
      %dma_start3A_415 = tpu.memref_squeeze %dma_start3A_414 : memref<1x50x32xf32, #tpu.memory_space<vmem>> -> memref<50x32xf32, #tpu.memory_space<vmem>>
      %dma_start3A_416 = arith.constant 0 : i32
      %dma_start3A_417 = tpu.memref_slice %arg5[%add3A_410, %dma_start3A_416] : memref<512x50xi32, #tpu.memory_space<vmem>> -> memref<1x50xi32, #tpu.memory_space<vmem>>
      %dma_start3A_418 = tpu.memref_squeeze %dma_start3A_417 : memref<1x50xi32, #tpu.memory_space<vmem>> -> memref<50xi32, #tpu.memory_space<vmem>>
      %dma_start3A_419 = arith.constant 0 : i32
      %dma_start3A_420 = arith.constant 0 : i32
      %dma_start3A_421 = tpu.memref_slice %arg3[%dma_start3A_419, %dma_start3A_420] : memref<1000000x32xf32, #tpu.memory_space<hbm>> -> memref<1000000x32xf32, #tpu.memory_space<hbm>>
      tpu.enqueue_indirect_dma source(%dma_start3A_421 : memref<1000000x32xf32, #tpu.memory_space<hbm>>) target(%dma_start3A_415 : memref<50x32xf32, #tpu.memory_space<vmem>>) offsets(%dma_start3A_418 : memref<50xi32, #tpu.memory_space<vmem>>) semaphore(%arg9 : memref<!tpu.dma_semaphore, #tpu.memory_space<semaphore_mem>>)
      %mul3A_422 = arith.constant 16 : i32
      %mul3A_423 = arith.muli %add3A_406, %mul3A_422 : i32
      %add3A_424 = arith.constant 1 : i32
      %add3A_425 = arith.addi %mul3A_423, %add3A_424 : i32
      %dma_start3A_426 = arith.constant 1 : i32
      %dma_start3A_427 = arith.constant 0 : i32
      %dma_start3A_428 = arith.constant 0 : i32
      %dma_start3A_429 = tpu.memref_slice %arg7[%dma_start3A_426, %dma_start3A_427, %dma_start3A_428] : memref<16x50x32xf32, #tpu.memory_space<vmem>> -> memref<1x50x32xf32, #tpu.memory_space<vmem>>
      %dma_start3A_430 = tpu.memref_squeeze %dma_start3A_429 : memref<1x50x32xf32, #tpu.memory_space<vmem>> -> memref<50x32xf32, #tpu.memory_space<vmem>>
      %dma_start3A_431 = arith.constant 0 : i32
      %dma_start3A_432 = tpu.memref_slice %arg5[%add3A_425, %dma_start3A_431] : memref<512x50xi32, #tpu.memory_space<vmem>> -> memref<1x50xi32, #tpu.memory_space<vmem>>
      %dma_start3A_433 = tpu.memref_squeeze %dma_start3A_432 : memref<1x50xi32, #tpu.memory_space<vmem>> -> memref<50xi32, #tpu.memory_space<vmem>>
      %dma_start3A_434 = arith.constant 0 : i32
      %dma_start3A_435 = arith.constant 0 : i32
      %dma_start3A_436 = tpu.memref_slice %arg3[%dma_start3A_434, %dma_start3A_435] : memref<1000000x32xf32, #tpu.memory_space<hbm>> -> memref<1000000x32xf32, #tpu.memory_space<hbm>>
      tpu.enqueue_indirect_dma source(%dma_start3A_436 : memref<1000000x32xf32, #tpu.memory_space<hbm>>) target(%dma_start3A_430 : memref<50x32xf32, #tpu.memory_space<vmem>>) offsets(%dma_start3A_433 : memref<50xi32, #tpu.memory_space<vmem>>) semaphore(%arg9 : memref<!tpu.dma_semaphore, #tpu.memory_space<semaphore_mem>>)
      %mul3A_437 = arith.constant 16 : i32
      %mul3A_438 = arith.muli %add3A_406, %mul3A_437 : i32
      %add3A_439 = arith.constant 2 : i32
      %add3A_440 = arith.addi %mul3A_438, %add3A_439 : i32
      %dma_start3A_441 = arith.constant 2 : i32
      %dma_start3A_442 = arith.constant 0 : i32
      %dma_start3A_443 = arith.constant 0 : i32
      %dma_start3A_444 = tpu.memref_slice %arg7[%dma_start3A_441, %dma_start3A_442, %dma_start3A_443] : memref<16x50x32xf32, #tpu.memory_space<vmem>> -> memref<1x50x32xf32, #tpu.memory_space<vmem>>
      %dma_start3A_445 = tpu.memref_squeeze %dma_start3A_444 : memref<1x50x32xf32, #tpu.memory_space<vmem>> -> memref<50x32xf32, #tpu.memory_space<vmem>>
      %dma_start3A_446 = arith.constant 0 : i32
      %dma_start3A_447 = tpu.memref_slice %arg5[%add3A_440, %dma_start3A_446] : memref<512x50xi32, #tpu.memory_space<vmem>> -> memref<1x50xi32, #tpu.memory_space<vmem>>
      %dma_start3A_448 = tpu.memref_squeeze %dma_start3A_447 : memref<1x50xi32, #tpu.memory_space<vmem>> -> memref<50xi32, #tpu.memory_space<vmem>>
      %dma_start3A_449 = arith.constant 0 : i32
      %dma_start3A_450 = arith.constant 0 : i32
      %dma_start3A_451 = tpu.memref_slice %arg3[%dma_start3A_449, %dma_start3A_450] : memref<1000000x32xf32, #tpu.memory_space<hbm>> -> memref<1000000x32xf32, #tpu.memory_space<hbm>>
      tpu.enqueue_indirect_dma source(%dma_start3A_451 : memref<1000000x32xf32, #tpu.memory_space<hbm>>) target(%dma_start3A_445 : memref<50x32xf32, #tpu.memory_space<vmem>>) offsets(%dma_start3A_448 : memref<50xi32, #tpu.memory_space<vmem>>) semaphore(%arg9 : memref<!tpu.dma_semaphore, #tpu.memory_space<semaphore_mem>>)
      %mul3A_452 = arith.constant 16 : i32
      %mul3A_453 = arith.muli %add3A_406, %mul3A_452 : i32
      %add3A_454 = arith.constant 3 : i32
      %add3A_455 = arith.addi %mul3A_453, %add3A_454 : i32
      %dma_start3A_456 = arith.constant 3 : i32
      %dma_start3A_457 = arith.constant 0 : i32
      %dma_start3A_458 = arith.constant 0 : i32
      %dma_start3A_459 = tpu.memref_slice %arg7[%dma_start3A_456, %dma_start3A_457, %dma_start3A_458] : memref<16x50x32xf32, #tpu.memory_space<vmem>> -> memref<1x50x32xf32, #tpu.memory_space<vmem>>
      %dma_start3A_460 = tpu.memref_squeeze %dma_start3A_459 : memref<1x50x32xf32, #tpu.memory_space<vmem>> -> memref<50x32xf32, #tpu.memory_space<vmem>>
      %dma_start3A_461 = arith.constant 0 : i32
      %dma_start3A_462 = tpu.memref_slice %arg5[%add3A_455, %dma_start3A_461] : memref<512x50xi32, #tpu.memory_space<vmem>> -> memref<1x50xi32, #tpu.memory_space<vmem>>
      %dma_start3A_463 = tpu.memref_squeeze %dma_start3A_462 : memref<1x50xi32, #tpu.memory_space<vmem>> -> memref<50xi32, #tpu.memory_space<vmem>>
      %dma_start3A_464 = arith.constant 0 : i32
      %dma_start3A_465 = arith.constant 0 : i32
      %dma_start3A_466 = tpu.memref_slice %arg3[%dma_start3A_464, %dma_start3A_465] : memref<1000000x32xf32, #tpu.memory_space<hbm>> -> memref<1000000x32xf32, #tpu.memory_space<hbm>>
      tpu.enqueue_indirect_dma source(%dma_start3A_466 : memref<1000000x32xf32, #tpu.memory_space<hbm>>) target(%dma_start3A_460 : memref<50x32xf32, #tpu.memory_space<vmem>>) offsets(%dma_start3A_463 : memref<50xi32, #tpu.memory_space<vmem>>) semaphore(%arg9 : memref<!tpu.dma_semaphore, #tpu.memory_space<semaphore_mem>>)
      %mul3A_467 = arith.constant 16 : i32
      %mul3A_468 = arith.muli %add3A_406, %mul3A_467 : i32
      %add3A_469 = arith.constant 4 : i32
      %add3A_470 = arith.addi %mul3A_468, %add3A_469 : i32
      %dma_start3A_471 = arith.constant 4 : i32
      %dma_start3A_472 = arith.constant 0 : i32
      %dma_start3A_473 = arith.constant 0 : i32
      %dma_start3A_474 = tpu.memref_slice %arg7[%dma_start3A_471, %dma_start3A_472, %dma_start3A_473] : memref<16x50x32xf32, #tpu.memory_space<vmem>> -> memref<1x50x32xf32, #tpu.memory_space<vmem>>
      %dma_start3A_475 = tpu.memref_squeeze %dma_start3A_474 : memref<1x50x32xf32, #tpu.memory_space<vmem>> -> memref<50x32xf32, #tpu.memory_space<vmem>>
      %dma_start3A_476 = arith.constant 0 : i32
      %dma_start3A_477 = tpu.memref_slice %arg5[%add3A_470, %dma_start3A_476] : memref<512x50xi32, #tpu.memory_space<vmem>> -> memref<1x50xi32, #tpu.memory_space<vmem>>
      %dma_start3A_478 = tpu.memref_squeeze %dma_start3A_477 : memref<1x50xi32, #tpu.memory_space<vmem>> -> memref<50xi32, #tpu.memory_space<vmem>>
      %dma_start3A_479 = arith.constant 0 : i32
      %dma_start3A_480 = arith.constant 0 : i32
      %dma_start3A_481 = tpu.memref_slice %arg3[%dma_start3A_479, %dma_start3A_480] : memref<1000000x32xf32, #tpu.memory_space<hbm>> -> memref<1000000x32xf32, #tpu.memory_space<hbm>>
      tpu.enqueue_indirect_dma source(%dma_start3A_481 : memref<1000000x32xf32, #tpu.memory_space<hbm>>) target(%dma_start3A_475 : memref<50x32xf32, #tpu.memory_space<vmem>>) offsets(%dma_start3A_478 : memref<50xi32, #tpu.memory_space<vmem>>) semaphore(%arg9 : memref<!tpu.dma_semaphore, #tpu.memory_space<semaphore_mem>>)
      %mul3A_482 = arith.constant 16 : i32
      %mul3A_483 = arith.muli %add3A_406, %mul3A_482 : i32
      %add3A_484 = arith.constant 5 : i32
      %add3A_485 = arith.addi %mul3A_483, %add3A_484 : i32
      %dma_start3A_486 = arith.constant 5 : i32
      %dma_start3A_487 = arith.constant 0 : i32
      %dma_start3A_488 = arith.constant 0 : i32
      %dma_start3A_489 = tpu.memref_slice %arg7[%dma_start3A_486, %dma_start3A_487, %dma_start3A_488] : memref<16x50x32xf32, #tpu.memory_space<vmem>> -> memref<1x50x32xf32, #tpu.memory_space<vmem>>
      %dma_start3A_490 = tpu.memref_squeeze %dma_start3A_489 : memref<1x50x32xf32, #tpu.memory_space<vmem>> -> memref<50x32xf32, #tpu.memory_space<vmem>>
      %dma_start3A_491 = arith.constant 0 : i32
      %dma_start3A_492 = tpu.memref_slice %arg5[%add3A_485, %dma_start3A_491] : memref<512x50xi32, #tpu.memory_space<vmem>> -> memref<1x50xi32, #tpu.memory_space<vmem>>
      %dma_start3A_493 = tpu.memref_squeeze %dma_start3A_492 : memref<1x50xi32, #tpu.memory_space<vmem>> -> memref<50xi32, #tpu.memory_space<vmem>>
      %dma_start3A_494 = arith.constant 0 : i32
      %dma_start3A_495 = arith.constant 0 : i32
      %dma_start3A_496 = tpu.memref_slice %arg3[%dma_start3A_494, %dma_start3A_495] : memref<1000000x32xf32, #tpu.memory_space<hbm>> -> memref<1000000x32xf32, #tpu.memory_space<hbm>>
      tpu.enqueue_indirect_dma source(%dma_start3A_496 : memref<1000000x32xf32, #tpu.memory_space<hbm>>) target(%dma_start3A_490 : memref<50x32xf32, #tpu.memory_space<vmem>>) offsets(%dma_start3A_493 : memref<50xi32, #tpu.memory_space<vmem>>) semaphore(%arg9 : memref<!tpu.dma_semaphore, #tpu.memory_space<semaphore_mem>>)
      %mul3A_497 = arith.constant 16 : i32
      %mul3A_498 = arith.muli %add3A_406, %mul3A_497 : i32
      %add3A_499 = arith.constant 6 : i32
      %add3A_500 = arith.addi %mul3A_498, %add3A_499 : i32
      %dma_start3A_501 = arith.constant 6 : i32
      %dma_start3A_502 = arith.constant 0 : i32
      %dma_start3A_503 = arith.constant 0 : i32
      %dma_start3A_504 = tpu.memref_slice %arg7[%dma_start3A_501, %dma_start3A_502, %dma_start3A_503] : memref<16x50x32xf32, #tpu.memory_space<vmem>> -> memref<1x50x32xf32, #tpu.memory_space<vmem>>
      %dma_start3A_505 = tpu.memref_squeeze %dma_start3A_504 : memref<1x50x32xf32, #tpu.memory_space<vmem>> -> memref<50x32xf32, #tpu.memory_space<vmem>>
      %dma_start3A_506 = arith.constant 0 : i32
      %dma_start3A_507 = tpu.memref_slice %arg5[%add3A_500, %dma_start3A_506] : memref<512x50xi32, #tpu.memory_space<vmem>> -> memref<1x50xi32, #tpu.memory_space<vmem>>
      %dma_start3A_508 = tpu.memref_squeeze %dma_start3A_507 : memref<1x50xi32, #tpu.memory_space<vmem>> -> memref<50xi32, #tpu.memory_space<vmem>>
      %dma_start3A_509 = arith.constant 0 : i32
      %dma_start3A_510 = arith.constant 0 : i32
      %dma_start3A_511 = tpu.memref_slice %arg3[%dma_start3A_509, %dma_start3A_510] : memref<1000000x32xf32, #tpu.memory_space<hbm>> -> memref<1000000x32xf32, #tpu.memory_space<hbm>>
      tpu.enqueue_indirect_dma source(%dma_start3A_511 : memref<1000000x32xf32, #tpu.memory_space<hbm>>) target(%dma_start3A_505 : memref<50x32xf32, #tpu.memory_space<vmem>>) offsets(%dma_start3A_508 : memref<50xi32, #tpu.memory_space<vmem>>) semaphore(%arg9 : memref<!tpu.dma_semaphore, #tpu.memory_space<semaphore_mem>>)
      %mul3A_512 = arith.constant 16 : i32
      %mul3A_513 = arith.muli %add3A_406, %mul3A_512 : i32
      %add3A_514 = arith.constant 7 : i32
      %add3A_515 = arith.addi %mul3A_513, %add3A_514 : i32
      %dma_start3A_516 = arith.constant 7 : i32
      %dma_start3A_517 = arith.constant 0 : i32
      %dma_start3A_518 = arith.constant 0 : i32
      %dma_start3A_519 = tpu.memref_slice %arg7[%dma_start3A_516, %dma_start3A_517, %dma_start3A_518] : memref<16x50x32xf32, #tpu.memory_space<vmem>> -> memref<1x50x32xf32, #tpu.memory_space<vmem>>
      %dma_start3A_520 = tpu.memref_squeeze %dma_start3A_519 : memref<1x50x32xf32, #tpu.memory_space<vmem>> -> memref<50x32xf32, #tpu.memory_space<vmem>>
      %dma_start3A_521 = arith.constant 0 : i32
      %dma_start3A_522 = tpu.memref_slice %arg5[%add3A_515, %dma_start3A_521] : memref<512x50xi32, #tpu.memory_space<vmem>> -> memref<1x50xi32, #tpu.memory_space<vmem>>
      %dma_start3A_523 = tpu.memref_squeeze %dma_start3A_522 : memref<1x50xi32, #tpu.memory_space<vmem>> -> memref<50xi32, #tpu.memory_space<vmem>>
      %dma_start3A_524 = arith.constant 0 : i32
      %dma_start3A_525 = arith.constant 0 : i32
      %dma_start3A_526 = tpu.memref_slice %arg3[%dma_start3A_524, %dma_start3A_525] : memref<1000000x32xf32, #tpu.memory_space<hbm>> -> memref<1000000x32xf32, #tpu.memory_space<hbm>>
      tpu.enqueue_indirect_dma source(%dma_start3A_526 : memref<1000000x32xf32, #tpu.memory_space<hbm>>) target(%dma_start3A_520 : memref<50x32xf32, #tpu.memory_space<vmem>>) offsets(%dma_start3A_523 : memref<50xi32, #tpu.memory_space<vmem>>) semaphore(%arg9 : memref<!tpu.dma_semaphore, #tpu.memory_space<semaphore_mem>>)
      %mul3A_527 = arith.constant 16 : i32
      %mul3A_528 = arith.muli %add3A_406, %mul3A_527 : i32
      %add3A_529 = arith.constant 8 : i32
      %add3A_530 = arith.addi %mul3A_528, %add3A_529 : i32
      %dma_start3A_531 = arith.constant 8 : i32
      %dma_start3A_532 = arith.constant 0 : i32
      %dma_start3A_533 = arith.constant 0 : i32
      %dma_start3A_534 = tpu.memref_slice %arg7[%dma_start3A_531, %dma_start3A_532, %dma_start3A_533] : memref<16x50x32xf32, #tpu.memory_space<vmem>> -> memref<1x50x32xf32, #tpu.memory_space<vmem>>
      %dma_start3A_535 = tpu.memref_squeeze %dma_start3A_534 : memref<1x50x32xf32, #tpu.memory_space<vmem>> -> memref<50x32xf32, #tpu.memory_space<vmem>>
      %dma_start3A_536 = arith.constant 0 : i32
      %dma_start3A_537 = tpu.memref_slice %arg5[%add3A_530, %dma_start3A_536] : memref<512x50xi32, #tpu.memory_space<vmem>> -> memref<1x50xi32, #tpu.memory_space<vmem>>
      %dma_start3A_538 = tpu.memref_squeeze %dma_start3A_537 : memref<1x50xi32, #tpu.memory_space<vmem>> -> memref<50xi32, #tpu.memory_space<vmem>>
      %dma_start3A_539 = arith.constant 0 : i32
      %dma_start3A_540 = arith.constant 0 : i32
      %dma_start3A_541 = tpu.memref_slice %arg3[%dma_start3A_539, %dma_start3A_540] : memref<1000000x32xf32, #tpu.memory_space<hbm>> -> memref<1000000x32xf32, #tpu.memory_space<hbm>>
      tpu.enqueue_indirect_dma source(%dma_start3A_541 : memref<1000000x32xf32, #tpu.memory_space<hbm>>) target(%dma_start3A_535 : memref<50x32xf32, #tpu.memory_space<vmem>>) offsets(%dma_start3A_538 : memref<50xi32, #tpu.memory_space<vmem>>) semaphore(%arg9 : memref<!tpu.dma_semaphore, #tpu.memory_space<semaphore_mem>>)
      %mul3A_542 = arith.constant 16 : i32
      %mul3A_543 = arith.muli %add3A_406, %mul3A_542 : i32
      %add3A_544 = arith.constant 9 : i32
      %add3A_545 = arith.addi %mul3A_543, %add3A_544 : i32
      %dma_start3A_546 = arith.constant 9 : i32
      %dma_start3A_547 = arith.constant 0 : i32
      %dma_start3A_548 = arith.constant 0 : i32
      %dma_start3A_549 = tpu.memref_slice %arg7[%dma_start3A_546, %dma_start3A_547, %dma_start3A_548] : memref<16x50x32xf32, #tpu.memory_space<vmem>> -> memref<1x50x32xf32, #tpu.memory_space<vmem>>
      %dma_start3A_550 = tpu.memref_squeeze %dma_start3A_549 : memref<1x50x32xf32, #tpu.memory_space<vmem>> -> memref<50x32xf32, #tpu.memory_space<vmem>>
      %dma_start3A_551 = arith.constant 0 : i32
      %dma_start3A_552 = tpu.memref_slice %arg5[%add3A_545, %dma_start3A_551] : memref<512x50xi32, #tpu.memory_space<vmem>> -> memref<1x50xi32, #tpu.memory_space<vmem>>
      %dma_start3A_553 = tpu.memref_squeeze %dma_start3A_552 : memref<1x50xi32, #tpu.memory_space<vmem>> -> memref<50xi32, #tpu.memory_space<vmem>>
      %dma_start3A_554 = arith.constant 0 : i32
      %dma_start3A_555 = arith.constant 0 : i32
      %dma_start3A_556 = tpu.memref_slice %arg3[%dma_start3A_554, %dma_start3A_555] : memref<1000000x32xf32, #tpu.memory_space<hbm>> -> memref<1000000x32xf32, #tpu.memory_space<hbm>>
      tpu.enqueue_indirect_dma source(%dma_start3A_556 : memref<1000000x32xf32, #tpu.memory_space<hbm>>) target(%dma_start3A_550 : memref<50x32xf32, #tpu.memory_space<vmem>>) offsets(%dma_start3A_553 : memref<50xi32, #tpu.memory_space<vmem>>) semaphore(%arg9 : memref<!tpu.dma_semaphore, #tpu.memory_space<semaphore_mem>>)
      %mul3A_557 = arith.constant 16 : i32
      %mul3A_558 = arith.muli %add3A_406, %mul3A_557 : i32
      %add3A_559 = arith.constant 10 : i32
      %add3A_560 = arith.addi %mul3A_558, %add3A_559 : i32
      %dma_start3A_561 = arith.constant 10 : i32
      %dma_start3A_562 = arith.constant 0 : i32
      %dma_start3A_563 = arith.constant 0 : i32
      %dma_start3A_564 = tpu.memref_slice %arg7[%dma_start3A_561, %dma_start3A_562, %dma_start3A_563] : memref<16x50x32xf32, #tpu.memory_space<vmem>> -> memref<1x50x32xf32, #tpu.memory_space<vmem>>
      %dma_start3A_565 = tpu.memref_squeeze %dma_start3A_564 : memref<1x50x32xf32, #tpu.memory_space<vmem>> -> memref<50x32xf32, #tpu.memory_space<vmem>>
      %dma_start3A_566 = arith.constant 0 : i32
      %dma_start3A_567 = tpu.memref_slice %arg5[%add3A_560, %dma_start3A_566] : memref<512x50xi32, #tpu.memory_space<vmem>> -> memref<1x50xi32, #tpu.memory_space<vmem>>
      %dma_start3A_568 = tpu.memref_squeeze %dma_start3A_567 : memref<1x50xi32, #tpu.memory_space<vmem>> -> memref<50xi32, #tpu.memory_space<vmem>>
      %dma_start3A_569 = arith.constant 0 : i32
      %dma_start3A_570 = arith.constant 0 : i32
      %dma_start3A_571 = tpu.memref_slice %arg3[%dma_start3A_569, %dma_start3A_570] : memref<1000000x32xf32, #tpu.memory_space<hbm>> -> memref<1000000x32xf32, #tpu.memory_space<hbm>>
      tpu.enqueue_indirect_dma source(%dma_start3A_571 : memref<1000000x32xf32, #tpu.memory_space<hbm>>) target(%dma_start3A_565 : memref<50x32xf32, #tpu.memory_space<vmem>>) offsets(%dma_start3A_568 : memref<50xi32, #tpu.memory_space<vmem>>) semaphore(%arg9 : memref<!tpu.dma_semaphore, #tpu.memory_space<semaphore_mem>>)
      %mul3A_572 = arith.constant 16 : i32
      %mul3A_573 = arith.muli %add3A_406, %mul3A_572 : i32
      %add3A_574 = arith.constant 11 : i32
      %add3A_575 = arith.addi %mul3A_573, %add3A_574 : i32
      %dma_start3A_576 = arith.constant 11 : i32
      %dma_start3A_577 = arith.constant 0 : i32
      %dma_start3A_578 = arith.constant 0 : i32
      %dma_start3A_579 = tpu.memref_slice %arg7[%dma_start3A_576, %dma_start3A_577, %dma_start3A_578] : memref<16x50x32xf32, #tpu.memory_space<vmem>> -> memref<1x50x32xf32, #tpu.memory_space<vmem>>
      %dma_start3A_580 = tpu.memref_squeeze %dma_start3A_579 : memref<1x50x32xf32, #tpu.memory_space<vmem>> -> memref<50x32xf32, #tpu.memory_space<vmem>>
      %dma_start3A_581 = arith.constant 0 : i32
      %dma_start3A_582 = tpu.memref_slice %arg5[%add3A_575, %dma_start3A_581] : memref<512x50xi32, #tpu.memory_space<vmem>> -> memref<1x50xi32, #tpu.memory_space<vmem>>
      %dma_start3A_583 = tpu.memref_squeeze %dma_start3A_582 : memref<1x50xi32, #tpu.memory_space<vmem>> -> memref<50xi32, #tpu.memory_space<vmem>>
      %dma_start3A_584 = arith.constant 0 : i32
      %dma_start3A_585 = arith.constant 0 : i32
      %dma_start3A_586 = tpu.memref_slice %arg3[%dma_start3A_584, %dma_start3A_585] : memref<1000000x32xf32, #tpu.memory_space<hbm>> -> memref<1000000x32xf32, #tpu.memory_space<hbm>>
      tpu.enqueue_indirect_dma source(%dma_start3A_586 : memref<1000000x32xf32, #tpu.memory_space<hbm>>) target(%dma_start3A_580 : memref<50x32xf32, #tpu.memory_space<vmem>>) offsets(%dma_start3A_583 : memref<50xi32, #tpu.memory_space<vmem>>) semaphore(%arg9 : memref<!tpu.dma_semaphore, #tpu.memory_space<semaphore_mem>>)
      %mul3A_587 = arith.constant 16 : i32
      %mul3A_588 = arith.muli %add3A_406, %mul3A_587 : i32
      %add3A_589 = arith.constant 12 : i32
      %add3A_590 = arith.addi %mul3A_588, %add3A_589 : i32
      %dma_start3A_591 = arith.constant 12 : i32
      %dma_start3A_592 = arith.constant 0 : i32
      %dma_start3A_593 = arith.constant 0 : i32
      %dma_start3A_594 = tpu.memref_slice %arg7[%dma_start3A_591, %dma_start3A_592, %dma_start3A_593] : memref<16x50x32xf32, #tpu.memory_space<vmem>> -> memref<1x50x32xf32, #tpu.memory_space<vmem>>
      %dma_start3A_595 = tpu.memref_squeeze %dma_start3A_594 : memref<1x50x32xf32, #tpu.memory_space<vmem>> -> memref<50x32xf32, #tpu.memory_space<vmem>>
      %dma_start3A_596 = arith.constant 0 : i32
      %dma_start3A_597 = tpu.memref_slice %arg5[%add3A_590, %dma_start3A_596] : memref<512x50xi32, #tpu.memory_space<vmem>> -> memref<1x50xi32, #tpu.memory_space<vmem>>
      %dma_start3A_598 = tpu.memref_squeeze %dma_start3A_597 : memref<1x50xi32, #tpu.memory_space<vmem>> -> memref<50xi32, #tpu.memory_space<vmem>>
      %dma_start3A_599 = arith.constant 0 : i32
      %dma_start3A_600 = arith.constant 0 : i32
      %dma_start3A_601 = tpu.memref_slice %arg3[%dma_start3A_599, %dma_start3A_600] : memref<1000000x32xf32, #tpu.memory_space<hbm>> -> memref<1000000x32xf32, #tpu.memory_space<hbm>>
      tpu.enqueue_indirect_dma source(%dma_start3A_601 : memref<1000000x32xf32, #tpu.memory_space<hbm>>) target(%dma_start3A_595 : memref<50x32xf32, #tpu.memory_space<vmem>>) offsets(%dma_start3A_598 : memref<50xi32, #tpu.memory_space<vmem>>) semaphore(%arg9 : memref<!tpu.dma_semaphore, #tpu.memory_space<semaphore_mem>>)
      %mul3A_602 = arith.constant 16 : i32
      %mul3A_603 = arith.muli %add3A_406, %mul3A_602 : i32
      %add3A_604 = arith.constant 13 : i32
      %add3A_605 = arith.addi %mul3A_603, %add3A_604 : i32
      %dma_start3A_606 = arith.constant 13 : i32
      %dma_start3A_607 = arith.constant 0 : i32
      %dma_start3A_608 = arith.constant 0 : i32
      %dma_start3A_609 = tpu.memref_slice %arg7[%dma_start3A_606, %dma_start3A_607, %dma_start3A_608] : memref<16x50x32xf32, #tpu.memory_space<vmem>> -> memref<1x50x32xf32, #tpu.memory_space<vmem>>
      %dma_start3A_610 = tpu.memref_squeeze %dma_start3A_609 : memref<1x50x32xf32, #tpu.memory_space<vmem>> -> memref<50x32xf32, #tpu.memory_space<vmem>>
      %dma_start3A_611 = arith.constant 0 : i32
      %dma_start3A_612 = tpu.memref_slice %arg5[%add3A_605, %dma_start3A_611] : memref<512x50xi32, #tpu.memory_space<vmem>> -> memref<1x50xi32, #tpu.memory_space<vmem>>
      %dma_start3A_613 = tpu.memref_squeeze %dma_start3A_612 : memref<1x50xi32, #tpu.memory_space<vmem>> -> memref<50xi32, #tpu.memory_space<vmem>>
      %dma_start3A_614 = arith.constant 0 : i32
      %dma_start3A_615 = arith.constant 0 : i32
      %dma_start3A_616 = tpu.memref_slice %arg3[%dma_start3A_614, %dma_start3A_615] : memref<1000000x32xf32, #tpu.memory_space<hbm>> -> memref<1000000x32xf32, #tpu.memory_space<hbm>>
      tpu.enqueue_indirect_dma source(%dma_start3A_616 : memref<1000000x32xf32, #tpu.memory_space<hbm>>) target(%dma_start3A_610 : memref<50x32xf32, #tpu.memory_space<vmem>>) offsets(%dma_start3A_613 : memref<50xi32, #tpu.memory_space<vmem>>) semaphore(%arg9 : memref<!tpu.dma_semaphore, #tpu.memory_space<semaphore_mem>>)
      %mul3A_617 = arith.constant 16 : i32
      %mul3A_618 = arith.muli %add3A_406, %mul3A_617 : i32
      %add3A_619 = arith.constant 14 : i32
      %add3A_620 = arith.addi %mul3A_618, %add3A_619 : i32
      %dma_start3A_621 = arith.constant 14 : i32
      %dma_start3A_622 = arith.constant 0 : i32
      %dma_start3A_623 = arith.constant 0 : i32
      %dma_start3A_624 = tpu.memref_slice %arg7[%dma_start3A_621, %dma_start3A_622, %dma_start3A_623] : memref<16x50x32xf32, #tpu.memory_space<vmem>> -> memref<1x50x32xf32, #tpu.memory_space<vmem>>
      %dma_start3A_625 = tpu.memref_squeeze %dma_start3A_624 : memref<1x50x32xf32, #tpu.memory_space<vmem>> -> memref<50x32xf32, #tpu.memory_space<vmem>>
      %dma_start3A_626 = arith.constant 0 : i32
      %dma_start3A_627 = tpu.memref_slice %arg5[%add3A_620, %dma_start3A_626] : memref<512x50xi32, #tpu.memory_space<vmem>> -> memref<1x50xi32, #tpu.memory_space<vmem>>
      %dma_start3A_628 = tpu.memref_squeeze %dma_start3A_627 : memref<1x50xi32, #tpu.memory_space<vmem>> -> memref<50xi32, #tpu.memory_space<vmem>>
      %dma_start3A_629 = arith.constant 0 : i32
      %dma_start3A_630 = arith.constant 0 : i32
      %dma_start3A_631 = tpu.memref_slice %arg3[%dma_start3A_629, %dma_start3A_630] : memref<1000000x32xf32, #tpu.memory_space<hbm>> -> memref<1000000x32xf32, #tpu.memory_space<hbm>>
      tpu.enqueue_indirect_dma source(%dma_start3A_631 : memref<1000000x32xf32, #tpu.memory_space<hbm>>) target(%dma_start3A_625 : memref<50x32xf32, #tpu.memory_space<vmem>>) offsets(%dma_start3A_628 : memref<50xi32, #tpu.memory_space<vmem>>) semaphore(%arg9 : memref<!tpu.dma_semaphore, #tpu.memory_space<semaphore_mem>>)
      %mul3A_632 = arith.constant 16 : i32
      %mul3A_633 = arith.muli %add3A_406, %mul3A_632 : i32
      %add3A_634 = arith.constant 15 : i32
      %add3A_635 = arith.addi %mul3A_633, %add3A_634 : i32
      %dma_start3A_636 = arith.constant 15 : i32
      %dma_start3A_637 = arith.constant 0 : i32
      %dma_start3A_638 = arith.constant 0 : i32
      %dma_start3A_639 = tpu.memref_slice %arg7[%dma_start3A_636, %dma_start3A_637, %dma_start3A_638] : memref<16x50x32xf32, #tpu.memory_space<vmem>> -> memref<1x50x32xf32, #tpu.memory_space<vmem>>
      %dma_start3A_640 = tpu.memref_squeeze %dma_start3A_639 : memref<1x50x32xf32, #tpu.memory_space<vmem>> -> memref<50x32xf32, #tpu.memory_space<vmem>>
      %dma_start3A_641 = arith.constant 0 : i32
      %dma_start3A_642 = tpu.memref_slice %arg5[%add3A_635, %dma_start3A_641] : memref<512x50xi32, #tpu.memory_space<vmem>> -> memref<1x50xi32, #tpu.memory_space<vmem>>
      %dma_start3A_643 = tpu.memref_squeeze %dma_start3A_642 : memref<1x50xi32, #tpu.memory_space<vmem>> -> memref<50xi32, #tpu.memory_space<vmem>>
      %dma_start3A_644 = arith.constant 0 : i32
      %dma_start3A_645 = arith.constant 0 : i32
      %dma_start3A_646 = tpu.memref_slice %arg3[%dma_start3A_644, %dma_start3A_645] : memref<1000000x32xf32, #tpu.memory_space<hbm>> -> memref<1000000x32xf32, #tpu.memory_space<hbm>>
      tpu.enqueue_indirect_dma source(%dma_start3A_646 : memref<1000000x32xf32, #tpu.memory_space<hbm>>) target(%dma_start3A_640 : memref<50x32xf32, #tpu.memory_space<vmem>>) offsets(%dma_start3A_643 : memref<50xi32, #tpu.memory_space<vmem>>) semaphore(%arg9 : memref<!tpu.dma_semaphore, #tpu.memory_space<semaphore_mem>>)
      %mul3A_647 = arith.constant 16 : i32
      %mul3A_648 = arith.muli %mul3A_210, %mul3A_647 : i32
      %add3A_649 = arith.addi %mul3A_2, %mul3A_648 : i32
      %dma_start3A_650 = arith.constant 0 : i32
      %dma_start3A_651 = arith.constant 0 : i32
      %dma_start3A_652 = tpu.memref_slice %arg4[%add3A_649, %dma_start3A_650, %dma_start3A_651] : memref<16384x50x32xf32, #tpu.memory_space<hbm>> -> memref<16x50x32xf32, #tpu.memory_space<hbm>>
      %dma_start3A_653 = arith.constant 0 : i32
      %dma_start3A_654 = arith.constant 0 : i32
      %dma_start3A_655 = tpu.memref_slice %arg4[%add3A_649, %dma_start3A_653, %dma_start3A_654] : memref<16384x50x32xf32, #tpu.memory_space<hbm>> -> memref<16x50x32xf32, #tpu.memory_space<hbm>>
      tpu.enqueue_dma source(%arg6 : memref<16x50x32xf32, #tpu.memory_space<vmem>>) target(%dma_start3A_655 : memref<16x50x32xf32, #tpu.memory_space<hbm>>) target_semaphore(%arg10 : memref<!tpu.dma_semaphore, #tpu.memory_space<semaphore_mem>>)
      %dma_wait3A_656 = arith.constant 0 : i32
      %dma_wait3A_657 = arith.constant 0 : i32
      %dma_wait3A_658 = arith.constant 0 : i32
      %dma_wait3A_659 = arith.constant 0 : i32
      %dma_wait3A_660 = tpu.memref_slice %arg7[%dma_wait3A_657, %dma_wait3A_658, %dma_wait3A_659] : memref<16x50x32xf32, #tpu.memory_space<vmem>> -> memref<1x50x32xf32, #tpu.memory_space<vmem>>
      %dma_wait3A_661 = tpu.memref_squeeze %dma_wait3A_660 : memref<1x50x32xf32, #tpu.memory_space<vmem>> -> memref<50x32xf32, #tpu.memory_space<vmem>>
      %dma_wait3A_662 = arith.constant 0 : i32
      %dma_wait3A_663 = tpu.memref_slice %arg5[%dma_wait3A_656, %dma_wait3A_662] : memref<512x50xi32, #tpu.memory_space<vmem>> -> memref<1x50xi32, #tpu.memory_space<vmem>>
      %dma_wait3A_664 = tpu.memref_squeeze %dma_wait3A_663 : memref<1x50xi32, #tpu.memory_space<vmem>> -> memref<50xi32, #tpu.memory_space<vmem>>
      %dma_wait3A_665 = arith.constant 0 : i32
      %dma_wait3A_666 = arith.constant 0 : i32
      %dma_wait3A_667 = tpu.memref_slice %arg3[%dma_wait3A_665, %dma_wait3A_666] : memref<1000000x32xf32, #tpu.memory_space<hbm>> -> memref<1000000x32xf32, #tpu.memory_space<hbm>>
      tpu.wait_indirect_dma semaphore(%arg9 : memref<!tpu.dma_semaphore, #tpu.memory_space<semaphore_mem>>) src(%dma_wait3A_667 : memref<1000000x32xf32, #tpu.memory_space<hbm>>) dst(%dma_wait3A_661 : memref<50x32xf32, #tpu.memory_space<vmem>>)
      %dma_wait3A_668 = arith.constant 0 : i32
      %dma_wait3A_669 = arith.constant 1 : i32
      %dma_wait3A_670 = arith.constant 0 : i32
      %dma_wait3A_671 = arith.constant 0 : i32
      %dma_wait3A_672 = tpu.memref_slice %arg7[%dma_wait3A_669, %dma_wait3A_670, %dma_wait3A_671] : memref<16x50x32xf32, #tpu.memory_space<vmem>> -> memref<1x50x32xf32, #tpu.memory_space<vmem>>
      %dma_wait3A_673 = tpu.memref_squeeze %dma_wait3A_672 : memref<1x50x32xf32, #tpu.memory_space<vmem>> -> memref<50x32xf32, #tpu.memory_space<vmem>>
      %dma_wait3A_674 = arith.constant 0 : i32
      %dma_wait3A_675 = tpu.memref_slice %arg5[%dma_wait3A_668, %dma_wait3A_674] : memref<512x50xi32, #tpu.memory_space<vmem>> -> memref<1x50xi32, #tpu.memory_space<vmem>>
      %dma_wait3A_676 = tpu.memref_squeeze %dma_wait3A_675 : memref<1x50xi32, #tpu.memory_space<vmem>> -> memref<50xi32, #tpu.memory_space<vmem>>
      %dma_wait3A_677 = arith.constant 0 : i32
      %dma_wait3A_678 = arith.constant 0 : i32
      %dma_wait3A_679 = tpu.memref_slice %arg3[%dma_wait3A_677, %dma_wait3A_678] : memref<1000000x32xf32, #tpu.memory_space<hbm>> -> memref<1000000x32xf32, #tpu.memory_space<hbm>>
      tpu.wait_indirect_dma semaphore(%arg9 : memref<!tpu.dma_semaphore, #tpu.memory_space<semaphore_mem>>) src(%dma_wait3A_679 : memref<1000000x32xf32, #tpu.memory_space<hbm>>) dst(%dma_wait3A_673 : memref<50x32xf32, #tpu.memory_space<vmem>>)
      %dma_wait3A_680 = arith.constant 0 : i32
      %dma_wait3A_681 = arith.constant 2 : i32
      %dma_wait3A_682 = arith.constant 0 : i32
      %dma_wait3A_683 = arith.constant 0 : i32
      %dma_wait3A_684 = tpu.memref_slice %arg7[%dma_wait3A_681, %dma_wait3A_682, %dma_wait3A_683] : memref<16x50x32xf32, #tpu.memory_space<vmem>> -> memref<1x50x32xf32, #tpu.memory_space<vmem>>
      %dma_wait3A_685 = tpu.memref_squeeze %dma_wait3A_684 : memref<1x50x32xf32, #tpu.memory_space<vmem>> -> memref<50x32xf32, #tpu.memory_space<vmem>>
      %dma_wait3A_686 = arith.constant 0 : i32
      %dma_wait3A_687 = tpu.memref_slice %arg5[%dma_wait3A_680, %dma_wait3A_686] : memref<512x50xi32, #tpu.memory_space<vmem>> -> memref<1x50xi32, #tpu.memory_space<vmem>>
      %dma_wait3A_688 = tpu.memref_squeeze %dma_wait3A_687 : memref<1x50xi32, #tpu.memory_space<vmem>> -> memref<50xi32, #tpu.memory_space<vmem>>
      %dma_wait3A_689 = arith.constant 0 : i32
      %dma_wait3A_690 = arith.constant 0 : i32
      %dma_wait3A_691 = tpu.memref_slice %arg3[%dma_wait3A_689, %dma_wait3A_690] : memref<1000000x32xf32, #tpu.memory_space<hbm>> -> memref<1000000x32xf32, #tpu.memory_space<hbm>>
      tpu.wait_indirect_dma semaphore(%arg9 : memref<!tpu.dma_semaphore, #tpu.memory_space<semaphore_mem>>) src(%dma_wait3A_691 : memref<1000000x32xf32, #tpu.memory_space<hbm>>) dst(%dma_wait3A_685 : memref<50x32xf32, #tpu.memory_space<vmem>>)
      %dma_wait3A_692 = arith.constant 0 : i32
      %dma_wait3A_693 = arith.constant 3 : i32
      %dma_wait3A_694 = arith.constant 0 : i32
      %dma_wait3A_695 = arith.constant 0 : i32
      %dma_wait3A_696 = tpu.memref_slice %arg7[%dma_wait3A_693, %dma_wait3A_694, %dma_wait3A_695] : memref<16x50x32xf32, #tpu.memory_space<vmem>> -> memref<1x50x32xf32, #tpu.memory_space<vmem>>
      %dma_wait3A_697 = tpu.memref_squeeze %dma_wait3A_696 : memref<1x50x32xf32, #tpu.memory_space<vmem>> -> memref<50x32xf32, #tpu.memory_space<vmem>>
      %dma_wait3A_698 = arith.constant 0 : i32
      %dma_wait3A_699 = tpu.memref_slice %arg5[%dma_wait3A_692, %dma_wait3A_698] : memref<512x50xi32, #tpu.memory_space<vmem>> -> memref<1x50xi32, #tpu.memory_space<vmem>>
      %dma_wait3A_700 = tpu.memref_squeeze %dma_wait3A_699 : memref<1x50xi32, #tpu.memory_space<vmem>> -> memref<50xi32, #tpu.memory_space<vmem>>
      %dma_wait3A_701 = arith.constant 0 : i32
      %dma_wait3A_702 = arith.constant 0 : i32
      %dma_wait3A_703 = tpu.memref_slice %arg3[%dma_wait3A_701, %dma_wait3A_702] : memref<1000000x32xf32, #tpu.memory_space<hbm>> -> memref<1000000x32xf32, #tpu.memory_space<hbm>>
      tpu.wait_indirect_dma semaphore(%arg9 : memref<!tpu.dma_semaphore, #tpu.memory_space<semaphore_mem>>) src(%dma_wait3A_703 : memref<1000000x32xf32, #tpu.memory_space<hbm>>) dst(%dma_wait3A_697 : memref<50x32xf32, #tpu.memory_space<vmem>>)
      %dma_wait3A_704 = arith.constant 0 : i32
      %dma_wait3A_705 = arith.constant 4 : i32
      %dma_wait3A_706 = arith.constant 0 : i32
      %dma_wait3A_707 = arith.constant 0 : i32
      %dma_wait3A_708 = tpu.memref_slice %arg7[%dma_wait3A_705, %dma_wait3A_706, %dma_wait3A_707] : memref<16x50x32xf32, #tpu.memory_space<vmem>> -> memref<1x50x32xf32, #tpu.memory_space<vmem>>
      %dma_wait3A_709 = tpu.memref_squeeze %dma_wait3A_708 : memref<1x50x32xf32, #tpu.memory_space<vmem>> -> memref<50x32xf32, #tpu.memory_space<vmem>>
      %dma_wait3A_710 = arith.constant 0 : i32
      %dma_wait3A_711 = tpu.memref_slice %arg5[%dma_wait3A_704, %dma_wait3A_710] : memref<512x50xi32, #tpu.memory_space<vmem>> -> memref<1x50xi32, #tpu.memory_space<vmem>>
      %dma_wait3A_712 = tpu.memref_squeeze %dma_wait3A_711 : memref<1x50xi32, #tpu.memory_space<vmem>> -> memref<50xi32, #tpu.memory_space<vmem>>
      %dma_wait3A_713 = arith.constant 0 : i32
      %dma_wait3A_714 = arith.constant 0 : i32
      %dma_wait3A_715 = tpu.memref_slice %arg3[%dma_wait3A_713, %dma_wait3A_714] : memref<1000000x32xf32, #tpu.memory_space<hbm>> -> memref<1000000x32xf32, #tpu.memory_space<hbm>>
      tpu.wait_indirect_dma semaphore(%arg9 : memref<!tpu.dma_semaphore, #tpu.memory_space<semaphore_mem>>) src(%dma_wait3A_715 : memref<1000000x32xf32, #tpu.memory_space<hbm>>) dst(%dma_wait3A_709 : memref<50x32xf32, #tpu.memory_space<vmem>>)
      %dma_wait3A_716 = arith.constant 0 : i32
      %dma_wait3A_717 = arith.constant 5 : i32
      %dma_wait3A_718 = arith.constant 0 : i32
      %dma_wait3A_719 = arith.constant 0 : i32
      %dma_wait3A_720 = tpu.memref_slice %arg7[%dma_wait3A_717, %dma_wait3A_718, %dma_wait3A_719] : memref<16x50x32xf32, #tpu.memory_space<vmem>> -> memref<1x50x32xf32, #tpu.memory_space<vmem>>
      %dma_wait3A_721 = tpu.memref_squeeze %dma_wait3A_720 : memref<1x50x32xf32, #tpu.memory_space<vmem>> -> memref<50x32xf32, #tpu.memory_space<vmem>>
      %dma_wait3A_722 = arith.constant 0 : i32
      %dma_wait3A_723 = tpu.memref_slice %arg5[%dma_wait3A_716, %dma_wait3A_722] : memref<512x50xi32, #tpu.memory_space<vmem>> -> memref<1x50xi32, #tpu.memory_space<vmem>>
      %dma_wait3A_724 = tpu.memref_squeeze %dma_wait3A_723 : memref<1x50xi32, #tpu.memory_space<vmem>> -> memref<50xi32, #tpu.memory_space<vmem>>
      %dma_wait3A_725 = arith.constant 0 : i32
      %dma_wait3A_726 = arith.constant 0 : i32
      %dma_wait3A_727 = tpu.memref_slice %arg3[%dma_wait3A_725, %dma_wait3A_726] : memref<1000000x32xf32, #tpu.memory_space<hbm>> -> memref<1000000x32xf32, #tpu.memory_space<hbm>>
      tpu.wait_indirect_dma semaphore(%arg9 : memref<!tpu.dma_semaphore, #tpu.memory_space<semaphore_mem>>) src(%dma_wait3A_727 : memref<1000000x32xf32, #tpu.memory_space<hbm>>) dst(%dma_wait3A_721 : memref<50x32xf32, #tpu.memory_space<vmem>>)
      %dma_wait3A_728 = arith.constant 0 : i32
      %dma_wait3A_729 = arith.constant 6 : i32
      %dma_wait3A_730 = arith.constant 0 : i32
      %dma_wait3A_731 = arith.constant 0 : i32
      %dma_wait3A_732 = tpu.memref_slice %arg7[%dma_wait3A_729, %dma_wait3A_730, %dma_wait3A_731] : memref<16x50x32xf32, #tpu.memory_space<vmem>> -> memref<1x50x32xf32, #tpu.memory_space<vmem>>
      %dma_wait3A_733 = tpu.memref_squeeze %dma_wait3A_732 : memref<1x50x32xf32, #tpu.memory_space<vmem>> -> memref<50x32xf32, #tpu.memory_space<vmem>>
      %dma_wait3A_734 = arith.constant 0 : i32
      %dma_wait3A_735 = tpu.memref_slice %arg5[%dma_wait3A_728, %dma_wait3A_734] : memref<512x50xi32, #tpu.memory_space<vmem>> -> memref<1x50xi32, #tpu.memory_space<vmem>>
      %dma_wait3A_736 = tpu.memref_squeeze %dma_wait3A_735 : memref<1x50xi32, #tpu.memory_space<vmem>> -> memref<50xi32, #tpu.memory_space<vmem>>
      %dma_wait3A_737 = arith.constant 0 : i32
      %dma_wait3A_738 = arith.constant 0 : i32
      %dma_wait3A_739 = tpu.memref_slice %arg3[%dma_wait3A_737, %dma_wait3A_738] : memref<1000000x32xf32, #tpu.memory_space<hbm>> -> memref<1000000x32xf32, #tpu.memory_space<hbm>>
      tpu.wait_indirect_dma semaphore(%arg9 : memref<!tpu.dma_semaphore, #tpu.memory_space<semaphore_mem>>) src(%dma_wait3A_739 : memref<1000000x32xf32, #tpu.memory_space<hbm>>) dst(%dma_wait3A_733 : memref<50x32xf32, #tpu.memory_space<vmem>>)
      %dma_wait3A_740 = arith.constant 0 : i32
      %dma_wait3A_741 = arith.constant 7 : i32
      %dma_wait3A_742 = arith.constant 0 : i32
      %dma_wait3A_743 = arith.constant 0 : i32
      %dma_wait3A_744 = tpu.memref_slice %arg7[%dma_wait3A_741, %dma_wait3A_742, %dma_wait3A_743] : memref<16x50x32xf32, #tpu.memory_space<vmem>> -> memref<1x50x32xf32, #tpu.memory_space<vmem>>
      %dma_wait3A_745 = tpu.memref_squeeze %dma_wait3A_744 : memref<1x50x32xf32, #tpu.memory_space<vmem>> -> memref<50x32xf32, #tpu.memory_space<vmem>>
      %dma_wait3A_746 = arith.constant 0 : i32
      %dma_wait3A_747 = tpu.memref_slice %arg5[%dma_wait3A_740, %dma_wait3A_746] : memref<512x50xi32, #tpu.memory_space<vmem>> -> memref<1x50xi32, #tpu.memory_space<vmem>>
      %dma_wait3A_748 = tpu.memref_squeeze %dma_wait3A_747 : memref<1x50xi32, #tpu.memory_space<vmem>> -> memref<50xi32, #tpu.memory_space<vmem>>
      %dma_wait3A_749 = arith.constant 0 : i32
      %dma_wait3A_750 = arith.constant 0 : i32
      %dma_wait3A_751 = tpu.memref_slice %arg3[%dma_wait3A_749, %dma_wait3A_750] : memref<1000000x32xf32, #tpu.memory_space<hbm>> -> memref<1000000x32xf32, #tpu.memory_space<hbm>>
      tpu.wait_indirect_dma semaphore(%arg9 : memref<!tpu.dma_semaphore, #tpu.memory_space<semaphore_mem>>) src(%dma_wait3A_751 : memref<1000000x32xf32, #tpu.memory_space<hbm>>) dst(%dma_wait3A_745 : memref<50x32xf32, #tpu.memory_space<vmem>>)
      %dma_wait3A_752 = arith.constant 0 : i32
      %dma_wait3A_753 = arith.constant 8 : i32
      %dma_wait3A_754 = arith.constant 0 : i32
      %dma_wait3A_755 = arith.constant 0 : i32
      %dma_wait3A_756 = tpu.memref_slice %arg7[%dma_wait3A_753, %dma_wait3A_754, %dma_wait3A_755] : memref<16x50x32xf32, #tpu.memory_space<vmem>> -> memref<1x50x32xf32, #tpu.memory_space<vmem>>
      %dma_wait3A_757 = tpu.memref_squeeze %dma_wait3A_756 : memref<1x50x32xf32, #tpu.memory_space<vmem>> -> memref<50x32xf32, #tpu.memory_space<vmem>>
      %dma_wait3A_758 = arith.constant 0 : i32
      %dma_wait3A_759 = tpu.memref_slice %arg5[%dma_wait3A_752, %dma_wait3A_758] : memref<512x50xi32, #tpu.memory_space<vmem>> -> memref<1x50xi32, #tpu.memory_space<vmem>>
      %dma_wait3A_760 = tpu.memref_squeeze %dma_wait3A_759 : memref<1x50xi32, #tpu.memory_space<vmem>> -> memref<50xi32, #tpu.memory_space<vmem>>
      %dma_wait3A_761 = arith.constant 0 : i32
      %dma_wait3A_762 = arith.constant 0 : i32
      %dma_wait3A_763 = tpu.memref_slice %arg3[%dma_wait3A_761, %dma_wait3A_762] : memref<1000000x32xf32, #tpu.memory_space<hbm>> -> memref<1000000x32xf32, #tpu.memory_space<hbm>>
      tpu.wait_indirect_dma semaphore(%arg9 : memref<!tpu.dma_semaphore, #tpu.memory_space<semaphore_mem>>) src(%dma_wait3A_763 : memref<1000000x32xf32, #tpu.memory_space<hbm>>) dst(%dma_wait3A_757 : memref<50x32xf32, #tpu.memory_space<vmem>>)
      %dma_wait3A_764 = arith.constant 0 : i32
      %dma_wait3A_765 = arith.constant 9 : i32
      %dma_wait3A_766 = arith.constant 0 : i32
      %dma_wait3A_767 = arith.constant 0 : i32
      %dma_wait3A_768 = tpu.memref_slice %arg7[%dma_wait3A_765, %dma_wait3A_766, %dma_wait3A_767] : memref<16x50x32xf32, #tpu.memory_space<vmem>> -> memref<1x50x32xf32, #tpu.memory_space<vmem>>
      %dma_wait3A_769 = tpu.memref_squeeze %dma_wait3A_768 : memref<1x50x32xf32, #tpu.memory_space<vmem>> -> memref<50x32xf32, #tpu.memory_space<vmem>>
      %dma_wait3A_770 = arith.constant 0 : i32
      %dma_wait3A_771 = tpu.memref_slice %arg5[%dma_wait3A_764, %dma_wait3A_770] : memref<512x50xi32, #tpu.memory_space<vmem>> -> memref<1x50xi32, #tpu.memory_space<vmem>>
      %dma_wait3A_772 = tpu.memref_squeeze %dma_wait3A_771 : memref<1x50xi32, #tpu.memory_space<vmem>> -> memref<50xi32, #tpu.memory_space<vmem>>
      %dma_wait3A_773 = arith.constant 0 : i32
      %dma_wait3A_774 = arith.constant 0 : i32
      %dma_wait3A_775 = tpu.memref_slice %arg3[%dma_wait3A_773, %dma_wait3A_774] : memref<1000000x32xf32, #tpu.memory_space<hbm>> -> memref<1000000x32xf32, #tpu.memory_space<hbm>>
      tpu.wait_indirect_dma semaphore(%arg9 : memref<!tpu.dma_semaphore, #tpu.memory_space<semaphore_mem>>) src(%dma_wait3A_775 : memref<1000000x32xf32, #tpu.memory_space<hbm>>) dst(%dma_wait3A_769 : memref<50x32xf32, #tpu.memory_space<vmem>>)
      %dma_wait3A_776 = arith.constant 0 : i32
      %dma_wait3A_777 = arith.constant 10 : i32
      %dma_wait3A_778 = arith.constant 0 : i32
      %dma_wait3A_779 = arith.constant 0 : i32
      %dma_wait3A_780 = tpu.memref_slice %arg7[%dma_wait3A_777, %dma_wait3A_778, %dma_wait3A_779] : memref<16x50x32xf32, #tpu.memory_space<vmem>> -> memref<1x50x32xf32, #tpu.memory_space<vmem>>
      %dma_wait3A_781 = tpu.memref_squeeze %dma_wait3A_780 : memref<1x50x32xf32, #tpu.memory_space<vmem>> -> memref<50x32xf32, #tpu.memory_space<vmem>>
      %dma_wait3A_782 = arith.constant 0 : i32
      %dma_wait3A_783 = tpu.memref_slice %arg5[%dma_wait3A_776, %dma_wait3A_782] : memref<512x50xi32, #tpu.memory_space<vmem>> -> memref<1x50xi32, #tpu.memory_space<vmem>>
      %dma_wait3A_784 = tpu.memref_squeeze %dma_wait3A_783 : memref<1x50xi32, #tpu.memory_space<vmem>> -> memref<50xi32, #tpu.memory_space<vmem>>
      %dma_wait3A_785 = arith.constant 0 : i32
      %dma_wait3A_786 = arith.constant 0 : i32
      %dma_wait3A_787 = tpu.memref_slice %arg3[%dma_wait3A_785, %dma_wait3A_786] : memref<1000000x32xf32, #tpu.memory_space<hbm>> -> memref<1000000x32xf32, #tpu.memory_space<hbm>>
      tpu.wait_indirect_dma semaphore(%arg9 : memref<!tpu.dma_semaphore, #tpu.memory_space<semaphore_mem>>) src(%dma_wait3A_787 : memref<1000000x32xf32, #tpu.memory_space<hbm>>) dst(%dma_wait3A_781 : memref<50x32xf32, #tpu.memory_space<vmem>>)
      %dma_wait3A_788 = arith.constant 0 : i32
      %dma_wait3A_789 = arith.constant 11 : i32
      %dma_wait3A_790 = arith.constant 0 : i32
      %dma_wait3A_791 = arith.constant 0 : i32
      %dma_wait3A_792 = tpu.memref_slice %arg7[%dma_wait3A_789, %dma_wait3A_790, %dma_wait3A_791] : memref<16x50x32xf32, #tpu.memory_space<vmem>> -> memref<1x50x32xf32, #tpu.memory_space<vmem>>
      %dma_wait3A_793 = tpu.memref_squeeze %dma_wait3A_792 : memref<1x50x32xf32, #tpu.memory_space<vmem>> -> memref<50x32xf32, #tpu.memory_space<vmem>>
      %dma_wait3A_794 = arith.constant 0 : i32
      %dma_wait3A_795 = tpu.memref_slice %arg5[%dma_wait3A_788, %dma_wait3A_794] : memref<512x50xi32, #tpu.memory_space<vmem>> -> memref<1x50xi32, #tpu.memory_space<vmem>>
      %dma_wait3A_796 = tpu.memref_squeeze %dma_wait3A_795 : memref<1x50xi32, #tpu.memory_space<vmem>> -> memref<50xi32, #tpu.memory_space<vmem>>
      %dma_wait3A_797 = arith.constant 0 : i32
      %dma_wait3A_798 = arith.constant 0 : i32
      %dma_wait3A_799 = tpu.memref_slice %arg3[%dma_wait3A_797, %dma_wait3A_798] : memref<1000000x32xf32, #tpu.memory_space<hbm>> -> memref<1000000x32xf32, #tpu.memory_space<hbm>>
      tpu.wait_indirect_dma semaphore(%arg9 : memref<!tpu.dma_semaphore, #tpu.memory_space<semaphore_mem>>) src(%dma_wait3A_799 : memref<1000000x32xf32, #tpu.memory_space<hbm>>) dst(%dma_wait3A_793 : memref<50x32xf32, #tpu.memory_space<vmem>>)
      %dma_wait3A_800 = arith.constant 0 : i32
      %dma_wait3A_801 = arith.constant 12 : i32
      %dma_wait3A_802 = arith.constant 0 : i32
      %dma_wait3A_803 = arith.constant 0 : i32
      %dma_wait3A_804 = tpu.memref_slice %arg7[%dma_wait3A_801, %dma_wait3A_802, %dma_wait3A_803] : memref<16x50x32xf32, #tpu.memory_space<vmem>> -> memref<1x50x32xf32, #tpu.memory_space<vmem>>
      %dma_wait3A_805 = tpu.memref_squeeze %dma_wait3A_804 : memref<1x50x32xf32, #tpu.memory_space<vmem>> -> memref<50x32xf32, #tpu.memory_space<vmem>>
      %dma_wait3A_806 = arith.constant 0 : i32
      %dma_wait3A_807 = tpu.memref_slice %arg5[%dma_wait3A_800, %dma_wait3A_806] : memref<512x50xi32, #tpu.memory_space<vmem>> -> memref<1x50xi32, #tpu.memory_space<vmem>>
      %dma_wait3A_808 = tpu.memref_squeeze %dma_wait3A_807 : memref<1x50xi32, #tpu.memory_space<vmem>> -> memref<50xi32, #tpu.memory_space<vmem>>
      %dma_wait3A_809 = arith.constant 0 : i32
      %dma_wait3A_810 = arith.constant 0 : i32
      %dma_wait3A_811 = tpu.memref_slice %arg3[%dma_wait3A_809, %dma_wait3A_810] : memref<1000000x32xf32, #tpu.memory_space<hbm>> -> memref<1000000x32xf32, #tpu.memory_space<hbm>>
      tpu.wait_indirect_dma semaphore(%arg9 : memref<!tpu.dma_semaphore, #tpu.memory_space<semaphore_mem>>) src(%dma_wait3A_811 : memref<1000000x32xf32, #tpu.memory_space<hbm>>) dst(%dma_wait3A_805 : memref<50x32xf32, #tpu.memory_space<vmem>>)
      %dma_wait3A_812 = arith.constant 0 : i32
      %dma_wait3A_813 = arith.constant 13 : i32
      %dma_wait3A_814 = arith.constant 0 : i32
      %dma_wait3A_815 = arith.constant 0 : i32
      %dma_wait3A_816 = tpu.memref_slice %arg7[%dma_wait3A_813, %dma_wait3A_814, %dma_wait3A_815] : memref<16x50x32xf32, #tpu.memory_space<vmem>> -> memref<1x50x32xf32, #tpu.memory_space<vmem>>
      %dma_wait3A_817 = tpu.memref_squeeze %dma_wait3A_816 : memref<1x50x32xf32, #tpu.memory_space<vmem>> -> memref<50x32xf32, #tpu.memory_space<vmem>>
      %dma_wait3A_818 = arith.constant 0 : i32
      %dma_wait3A_819 = tpu.memref_slice %arg5[%dma_wait3A_812, %dma_wait3A_818] : memref<512x50xi32, #tpu.memory_space<vmem>> -> memref<1x50xi32, #tpu.memory_space<vmem>>
      %dma_wait3A_820 = tpu.memref_squeeze %dma_wait3A_819 : memref<1x50xi32, #tpu.memory_space<vmem>> -> memref<50xi32, #tpu.memory_space<vmem>>
      %dma_wait3A_821 = arith.constant 0 : i32
      %dma_wait3A_822 = arith.constant 0 : i32
      %dma_wait3A_823 = tpu.memref_slice %arg3[%dma_wait3A_821, %dma_wait3A_822] : memref<1000000x32xf32, #tpu.memory_space<hbm>> -> memref<1000000x32xf32, #tpu.memory_space<hbm>>
      tpu.wait_indirect_dma semaphore(%arg9 : memref<!tpu.dma_semaphore, #tpu.memory_space<semaphore_mem>>) src(%dma_wait3A_823 : memref<1000000x32xf32, #tpu.memory_space<hbm>>) dst(%dma_wait3A_817 : memref<50x32xf32, #tpu.memory_space<vmem>>)
      %dma_wait3A_824 = arith.constant 0 : i32
      %dma_wait3A_825 = arith.constant 14 : i32
      %dma_wait3A_826 = arith.constant 0 : i32
      %dma_wait3A_827 = arith.constant 0 : i32
      %dma_wait3A_828 = tpu.memref_slice %arg7[%dma_wait3A_825, %dma_wait3A_826, %dma_wait3A_827] : memref<16x50x32xf32, #tpu.memory_space<vmem>> -> memref<1x50x32xf32, #tpu.memory_space<vmem>>
      %dma_wait3A_829 = tpu.memref_squeeze %dma_wait3A_828 : memref<1x50x32xf32, #tpu.memory_space<vmem>> -> memref<50x32xf32, #tpu.memory_space<vmem>>
      %dma_wait3A_830 = arith.constant 0 : i32
      %dma_wait3A_831 = tpu.memref_slice %arg5[%dma_wait3A_824, %dma_wait3A_830] : memref<512x50xi32, #tpu.memory_space<vmem>> -> memref<1x50xi32, #tpu.memory_space<vmem>>
      %dma_wait3A_832 = tpu.memref_squeeze %dma_wait3A_831 : memref<1x50xi32, #tpu.memory_space<vmem>> -> memref<50xi32, #tpu.memory_space<vmem>>
      %dma_wait3A_833 = arith.constant 0 : i32
      %dma_wait3A_834 = arith.constant 0 : i32
      %dma_wait3A_835 = tpu.memref_slice %arg3[%dma_wait3A_833, %dma_wait3A_834] : memref<1000000x32xf32, #tpu.memory_space<hbm>> -> memref<1000000x32xf32, #tpu.memory_space<hbm>>
      tpu.wait_indirect_dma semaphore(%arg9 : memref<!tpu.dma_semaphore, #tpu.memory_space<semaphore_mem>>) src(%dma_wait3A_835 : memref<1000000x32xf32, #tpu.memory_space<hbm>>) dst(%dma_wait3A_829 : memref<50x32xf32, #tpu.memory_space<vmem>>)
      %dma_wait3A_836 = arith.constant 0 : i32
      %dma_wait3A_837 = arith.constant 15 : i32
      %dma_wait3A_838 = arith.constant 0 : i32
      %dma_wait3A_839 = arith.constant 0 : i32
      %dma_wait3A_840 = tpu.memref_slice %arg7[%dma_wait3A_837, %dma_wait3A_838, %dma_wait3A_839] : memref<16x50x32xf32, #tpu.memory_space<vmem>> -> memref<1x50x32xf32, #tpu.memory_space<vmem>>
      %dma_wait3A_841 = tpu.memref_squeeze %dma_wait3A_840 : memref<1x50x32xf32, #tpu.memory_space<vmem>> -> memref<50x32xf32, #tpu.memory_space<vmem>>
      %dma_wait3A_842 = arith.constant 0 : i32
      %dma_wait3A_843 = tpu.memref_slice %arg5[%dma_wait3A_836, %dma_wait3A_842] : memref<512x50xi32, #tpu.memory_space<vmem>> -> memref<1x50xi32, #tpu.memory_space<vmem>>
      %dma_wait3A_844 = tpu.memref_squeeze %dma_wait3A_843 : memref<1x50xi32, #tpu.memory_space<vmem>> -> memref<50xi32, #tpu.memory_space<vmem>>
      %dma_wait3A_845 = arith.constant 0 : i32
      %dma_wait3A_846 = arith.constant 0 : i32
      %dma_wait3A_847 = tpu.memref_slice %arg3[%dma_wait3A_845, %dma_wait3A_846] : memref<1000000x32xf32, #tpu.memory_space<hbm>> -> memref<1000000x32xf32, #tpu.memory_space<hbm>>
      tpu.wait_indirect_dma semaphore(%arg9 : memref<!tpu.dma_semaphore, #tpu.memory_space<semaphore_mem>>) src(%dma_wait3A_847 : memref<1000000x32xf32, #tpu.memory_space<hbm>>) dst(%dma_wait3A_841 : memref<50x32xf32, #tpu.memory_space<vmem>>)
      %dma_wait3A_848 = arith.constant 0 : i32
      %dma_wait3A_849 = arith.constant 0 : i32
      %dma_wait3A_850 = arith.constant 0 : i32
      %dma_wait3A_851 = tpu.memref_slice %arg4[%dma_wait3A_848, %dma_wait3A_849, %dma_wait3A_850] : memref<16384x50x32xf32, #tpu.memory_space<hbm>> -> memref<16x50x32xf32, #tpu.memory_space<hbm>>
      %dma_wait3A_852 = arith.constant 0 : i32
      %dma_wait3A_853 = arith.constant 0 : i32
      %dma_wait3A_854 = arith.constant 0 : i32
      %dma_wait3A_855 = tpu.memref_slice %arg4[%dma_wait3A_852, %dma_wait3A_853, %dma_wait3A_854] : memref<16384x50x32xf32, #tpu.memory_space<hbm>> -> memref<16x50x32xf32, #tpu.memory_space<hbm>>
      tpu.wait_dma2 semaphore(%arg10 : memref<!tpu.dma_semaphore, #tpu.memory_space<semaphore_mem>>) src(%arg6 : memref<16x50x32xf32, #tpu.memory_space<vmem>>) dst(%dma_wait3A_855 : memref<16x50x32xf32, #tpu.memory_space<hbm>>)
      %lt3A = arith.constant 15 : i32
      %lt3A_856 = arith.cmpi slt, %scan3A_208, %lt3A : i32
      %convert_element_type3A_857 = arith.extui %lt3A_856 : i1 to i32
      %cond3A_858 = arith.constant 0 : i32
      %cond3A_859 = arith.cmpi ne, %convert_element_type3A_857, %cond3A_858 : i32
      scf.if %cond3A_859 {
        %add3A_871 = arith.constant 2 : i32
        %add3A_872 = arith.addi %mul3A_210, %add3A_871 : i32
        %mul3A_873 = arith.constant 16 : i32
        %mul3A_874 = arith.muli %add3A_872, %mul3A_873 : i32
        %add3A_875 = arith.constant 0 : i32
        %add3A_876 = arith.addi %mul3A_874, %add3A_875 : i32
        %dma_start3A_877 = arith.constant 0 : i32
        %dma_start3A_878 = arith.constant 0 : i32
        %dma_start3A_879 = arith.constant 0 : i32
        %dma_start3A_880 = tpu.memref_slice %arg6[%dma_start3A_877, %dma_start3A_878, %dma_start3A_879] : memref<16x50x32xf32, #tpu.memory_space<vmem>> -> memref<1x50x32xf32, #tpu.memory_space<vmem>>
        %dma_start3A_881 = tpu.memref_squeeze %dma_start3A_880 : memref<1x50x32xf32, #tpu.memory_space<vmem>> -> memref<50x32xf32, #tpu.memory_space<vmem>>
        %dma_start3A_882 = arith.constant 0 : i32
        %dma_start3A_883 = tpu.memref_slice %arg5[%add3A_876, %dma_start3A_882] : memref<512x50xi32, #tpu.memory_space<vmem>> -> memref<1x50xi32, #tpu.memory_space<vmem>>
        %dma_start3A_884 = tpu.memref_squeeze %dma_start3A_883 : memref<1x50xi32, #tpu.memory_space<vmem>> -> memref<50xi32, #tpu.memory_space<vmem>>
        %dma_start3A_885 = arith.constant 0 : i32
        %dma_start3A_886 = arith.constant 0 : i32
        %dma_start3A_887 = tpu.memref_slice %arg3[%dma_start3A_885, %dma_start3A_886] : memref<1000000x32xf32, #tpu.memory_space<hbm>> -> memref<1000000x32xf32, #tpu.memory_space<hbm>>
        tpu.enqueue_indirect_dma source(%dma_start3A_887 : memref<1000000x32xf32, #tpu.memory_space<hbm>>) target(%dma_start3A_881 : memref<50x32xf32, #tpu.memory_space<vmem>>) offsets(%dma_start3A_884 : memref<50xi32, #tpu.memory_space<vmem>>) semaphore(%arg8 : memref<!tpu.dma_semaphore, #tpu.memory_space<semaphore_mem>>)
        %mul3A_888 = arith.constant 16 : i32
        %mul3A_889 = arith.muli %add3A_872, %mul3A_888 : i32
        %add3A_890 = arith.constant 1 : i32
        %add3A_891 = arith.addi %mul3A_889, %add3A_890 : i32
        %dma_start3A_892 = arith.constant 1 : i32
        %dma_start3A_893 = arith.constant 0 : i32
        %dma_start3A_894 = arith.constant 0 : i32
        %dma_start3A_895 = tpu.memref_slice %arg6[%dma_start3A_892, %dma_start3A_893, %dma_start3A_894] : memref<16x50x32xf32, #tpu.memory_space<vmem>> -> memref<1x50x32xf32, #tpu.memory_space<vmem>>
        %dma_start3A_896 = tpu.memref_squeeze %dma_start3A_895 : memref<1x50x32xf32, #tpu.memory_space<vmem>> -> memref<50x32xf32, #tpu.memory_space<vmem>>
        %dma_start3A_897 = arith.constant 0 : i32
        %dma_start3A_898 = tpu.memref_slice %arg5[%add3A_891, %dma_start3A_897] : memref<512x50xi32, #tpu.memory_space<vmem>> -> memref<1x50xi32, #tpu.memory_space<vmem>>
        %dma_start3A_899 = tpu.memref_squeeze %dma_start3A_898 : memref<1x50xi32, #tpu.memory_space<vmem>> -> memref<50xi32, #tpu.memory_space<vmem>>
        %dma_start3A_900 = arith.constant 0 : i32
        %dma_start3A_901 = arith.constant 0 : i32
        %dma_start3A_902 = tpu.memref_slice %arg3[%dma_start3A_900, %dma_start3A_901] : memref<1000000x32xf32, #tpu.memory_space<hbm>> -> memref<1000000x32xf32, #tpu.memory_space<hbm>>
        tpu.enqueue_indirect_dma source(%dma_start3A_902 : memref<1000000x32xf32, #tpu.memory_space<hbm>>) target(%dma_start3A_896 : memref<50x32xf32, #tpu.memory_space<vmem>>) offsets(%dma_start3A_899 : memref<50xi32, #tpu.memory_space<vmem>>) semaphore(%arg8 : memref<!tpu.dma_semaphore, #tpu.memory_space<semaphore_mem>>)
        %mul3A_903 = arith.constant 16 : i32
        %mul3A_904 = arith.muli %add3A_872, %mul3A_903 : i32
        %add3A_905 = arith.constant 2 : i32
        %add3A_906 = arith.addi %mul3A_904, %add3A_905 : i32
        %dma_start3A_907 = arith.constant 2 : i32
        %dma_start3A_908 = arith.constant 0 : i32
        %dma_start3A_909 = arith.constant 0 : i32
        %dma_start3A_910 = tpu.memref_slice %arg6[%dma_start3A_907, %dma_start3A_908, %dma_start3A_909] : memref<16x50x32xf32, #tpu.memory_space<vmem>> -> memref<1x50x32xf32, #tpu.memory_space<vmem>>
        %dma_start3A_911 = tpu.memref_squeeze %dma_start3A_910 : memref<1x50x32xf32, #tpu.memory_space<vmem>> -> memref<50x32xf32, #tpu.memory_space<vmem>>
        %dma_start3A_912 = arith.constant 0 : i32
        %dma_start3A_913 = tpu.memref_slice %arg5[%add3A_906, %dma_start3A_912] : memref<512x50xi32, #tpu.memory_space<vmem>> -> memref<1x50xi32, #tpu.memory_space<vmem>>
        %dma_start3A_914 = tpu.memref_squeeze %dma_start3A_913 : memref<1x50xi32, #tpu.memory_space<vmem>> -> memref<50xi32, #tpu.memory_space<vmem>>
        %dma_start3A_915 = arith.constant 0 : i32
        %dma_start3A_916 = arith.constant 0 : i32
        %dma_start3A_917 = tpu.memref_slice %arg3[%dma_start3A_915, %dma_start3A_916] : memref<1000000x32xf32, #tpu.memory_space<hbm>> -> memref<1000000x32xf32, #tpu.memory_space<hbm>>
        tpu.enqueue_indirect_dma source(%dma_start3A_917 : memref<1000000x32xf32, #tpu.memory_space<hbm>>) target(%dma_start3A_911 : memref<50x32xf32, #tpu.memory_space<vmem>>) offsets(%dma_start3A_914 : memref<50xi32, #tpu.memory_space<vmem>>) semaphore(%arg8 : memref<!tpu.dma_semaphore, #tpu.memory_space<semaphore_mem>>)
        %mul3A_918 = arith.constant 16 : i32
        %mul3A_919 = arith.muli %add3A_872, %mul3A_918 : i32
        %add3A_920 = arith.constant 3 : i32
        %add3A_921 = arith.addi %mul3A_919, %add3A_920 : i32
        %dma_start3A_922 = arith.constant 3 : i32
        %dma_start3A_923 = arith.constant 0 : i32
        %dma_start3A_924 = arith.constant 0 : i32
        %dma_start3A_925 = tpu.memref_slice %arg6[%dma_start3A_922, %dma_start3A_923, %dma_start3A_924] : memref<16x50x32xf32, #tpu.memory_space<vmem>> -> memref<1x50x32xf32, #tpu.memory_space<vmem>>
        %dma_start3A_926 = tpu.memref_squeeze %dma_start3A_925 : memref<1x50x32xf32, #tpu.memory_space<vmem>> -> memref<50x32xf32, #tpu.memory_space<vmem>>
        %dma_start3A_927 = arith.constant 0 : i32
        %dma_start3A_928 = tpu.memref_slice %arg5[%add3A_921, %dma_start3A_927] : memref<512x50xi32, #tpu.memory_space<vmem>> -> memref<1x50xi32, #tpu.memory_space<vmem>>
        %dma_start3A_929 = tpu.memref_squeeze %dma_start3A_928 : memref<1x50xi32, #tpu.memory_space<vmem>> -> memref<50xi32, #tpu.memory_space<vmem>>
        %dma_start3A_930 = arith.constant 0 : i32
        %dma_start3A_931 = arith.constant 0 : i32
        %dma_start3A_932 = tpu.memref_slice %arg3[%dma_start3A_930, %dma_start3A_931] : memref<1000000x32xf32, #tpu.memory_space<hbm>> -> memref<1000000x32xf32, #tpu.memory_space<hbm>>
        tpu.enqueue_indirect_dma source(%dma_start3A_932 : memref<1000000x32xf32, #tpu.memory_space<hbm>>) target(%dma_start3A_926 : memref<50x32xf32, #tpu.memory_space<vmem>>) offsets(%dma_start3A_929 : memref<50xi32, #tpu.memory_space<vmem>>) semaphore(%arg8 : memref<!tpu.dma_semaphore, #tpu.memory_space<semaphore_mem>>)
        %mul3A_933 = arith.constant 16 : i32
        %mul3A_934 = arith.muli %add3A_872, %mul3A_933 : i32
        %add3A_935 = arith.constant 4 : i32
        %add3A_936 = arith.addi %mul3A_934, %add3A_935 : i32
        %dma_start3A_937 = arith.constant 4 : i32
        %dma_start3A_938 = arith.constant 0 : i32
        %dma_start3A_939 = arith.constant 0 : i32
        %dma_start3A_940 = tpu.memref_slice %arg6[%dma_start3A_937, %dma_start3A_938, %dma_start3A_939] : memref<16x50x32xf32, #tpu.memory_space<vmem>> -> memref<1x50x32xf32, #tpu.memory_space<vmem>>
        %dma_start3A_941 = tpu.memref_squeeze %dma_start3A_940 : memref<1x50x32xf32, #tpu.memory_space<vmem>> -> memref<50x32xf32, #tpu.memory_space<vmem>>
        %dma_start3A_942 = arith.constant 0 : i32
        %dma_start3A_943 = tpu.memref_slice %arg5[%add3A_936, %dma_start3A_942] : memref<512x50xi32, #tpu.memory_space<vmem>> -> memref<1x50xi32, #tpu.memory_space<vmem>>
        %dma_start3A_944 = tpu.memref_squeeze %dma_start3A_943 : memref<1x50xi32, #tpu.memory_space<vmem>> -> memref<50xi32, #tpu.memory_space<vmem>>
        %dma_start3A_945 = arith.constant 0 : i32
        %dma_start3A_946 = arith.constant 0 : i32
        %dma_start3A_947 = tpu.memref_slice %arg3[%dma_start3A_945, %dma_start3A_946] : memref<1000000x32xf32, #tpu.memory_space<hbm>> -> memref<1000000x32xf32, #tpu.memory_space<hbm>>
        tpu.enqueue_indirect_dma source(%dma_start3A_947 : memref<1000000x32xf32, #tpu.memory_space<hbm>>) target(%dma_start3A_941 : memref<50x32xf32, #tpu.memory_space<vmem>>) offsets(%dma_start3A_944 : memref<50xi32, #tpu.memory_space<vmem>>) semaphore(%arg8 : memref<!tpu.dma_semaphore, #tpu.memory_space<semaphore_mem>>)
        %mul3A_948 = arith.constant 16 : i32
        %mul3A_949 = arith.muli %add3A_872, %mul3A_948 : i32
        %add3A_950 = arith.constant 5 : i32
        %add3A_951 = arith.addi %mul3A_949, %add3A_950 : i32
        %dma_start3A_952 = arith.constant 5 : i32
        %dma_start3A_953 = arith.constant 0 : i32
        %dma_start3A_954 = arith.constant 0 : i32
        %dma_start3A_955 = tpu.memref_slice %arg6[%dma_start3A_952, %dma_start3A_953, %dma_start3A_954] : memref<16x50x32xf32, #tpu.memory_space<vmem>> -> memref<1x50x32xf32, #tpu.memory_space<vmem>>
        %dma_start3A_956 = tpu.memref_squeeze %dma_start3A_955 : memref<1x50x32xf32, #tpu.memory_space<vmem>> -> memref<50x32xf32, #tpu.memory_space<vmem>>
        %dma_start3A_957 = arith.constant 0 : i32
        %dma_start3A_958 = tpu.memref_slice %arg5[%add3A_951, %dma_start3A_957] : memref<512x50xi32, #tpu.memory_space<vmem>> -> memref<1x50xi32, #tpu.memory_space<vmem>>
        %dma_start3A_959 = tpu.memref_squeeze %dma_start3A_958 : memref<1x50xi32, #tpu.memory_space<vmem>> -> memref<50xi32, #tpu.memory_space<vmem>>
        %dma_start3A_960 = arith.constant 0 : i32
        %dma_start3A_961 = arith.constant 0 : i32
        %dma_start3A_962 = tpu.memref_slice %arg3[%dma_start3A_960, %dma_start3A_961] : memref<1000000x32xf32, #tpu.memory_space<hbm>> -> memref<1000000x32xf32, #tpu.memory_space<hbm>>
        tpu.enqueue_indirect_dma source(%dma_start3A_962 : memref<1000000x32xf32, #tpu.memory_space<hbm>>) target(%dma_start3A_956 : memref<50x32xf32, #tpu.memory_space<vmem>>) offsets(%dma_start3A_959 : memref<50xi32, #tpu.memory_space<vmem>>) semaphore(%arg8 : memref<!tpu.dma_semaphore, #tpu.memory_space<semaphore_mem>>)
        %mul3A_963 = arith.constant 16 : i32
        %mul3A_964 = arith.muli %add3A_872, %mul3A_963 : i32
        %add3A_965 = arith.constant 6 : i32
        %add3A_966 = arith.addi %mul3A_964, %add3A_965 : i32
        %dma_start3A_967 = arith.constant 6 : i32
        %dma_start3A_968 = arith.constant 0 : i32
        %dma_start3A_969 = arith.constant 0 : i32
        %dma_start3A_970 = tpu.memref_slice %arg6[%dma_start3A_967, %dma_start3A_968, %dma_start3A_969] : memref<16x50x32xf32, #tpu.memory_space<vmem>> -> memref<1x50x32xf32, #tpu.memory_space<vmem>>
        %dma_start3A_971 = tpu.memref_squeeze %dma_start3A_970 : memref<1x50x32xf32, #tpu.memory_space<vmem>> -> memref<50x32xf32, #tpu.memory_space<vmem>>
        %dma_start3A_972 = arith.constant 0 : i32
        %dma_start3A_973 = tpu.memref_slice %arg5[%add3A_966, %dma_start3A_972] : memref<512x50xi32, #tpu.memory_space<vmem>> -> memref<1x50xi32, #tpu.memory_space<vmem>>
        %dma_start3A_974 = tpu.memref_squeeze %dma_start3A_973 : memref<1x50xi32, #tpu.memory_space<vmem>> -> memref<50xi32, #tpu.memory_space<vmem>>
        %dma_start3A_975 = arith.constant 0 : i32
        %dma_start3A_976 = arith.constant 0 : i32
        %dma_start3A_977 = tpu.memref_slice %arg3[%dma_start3A_975, %dma_start3A_976] : memref<1000000x32xf32, #tpu.memory_space<hbm>> -> memref<1000000x32xf32, #tpu.memory_space<hbm>>
        tpu.enqueue_indirect_dma source(%dma_start3A_977 : memref<1000000x32xf32, #tpu.memory_space<hbm>>) target(%dma_start3A_971 : memref<50x32xf32, #tpu.memory_space<vmem>>) offsets(%dma_start3A_974 : memref<50xi32, #tpu.memory_space<vmem>>) semaphore(%arg8 : memref<!tpu.dma_semaphore, #tpu.memory_space<semaphore_mem>>)
        %mul3A_978 = arith.constant 16 : i32
        %mul3A_979 = arith.muli %add3A_872, %mul3A_978 : i32
        %add3A_980 = arith.constant 7 : i32
        %add3A_981 = arith.addi %mul3A_979, %add3A_980 : i32
        %dma_start3A_982 = arith.constant 7 : i32
        %dma_start3A_983 = arith.constant 0 : i32
        %dma_start3A_984 = arith.constant 0 : i32
        %dma_start3A_985 = tpu.memref_slice %arg6[%dma_start3A_982, %dma_start3A_983, %dma_start3A_984] : memref<16x50x32xf32, #tpu.memory_space<vmem>> -> memref<1x50x32xf32, #tpu.memory_space<vmem>>
        %dma_start3A_986 = tpu.memref_squeeze %dma_start3A_985 : memref<1x50x32xf32, #tpu.memory_space<vmem>> -> memref<50x32xf32, #tpu.memory_space<vmem>>
        %dma_start3A_987 = arith.constant 0 : i32
        %dma_start3A_988 = tpu.memref_slice %arg5[%add3A_981, %dma_start3A_987] : memref<512x50xi32, #tpu.memory_space<vmem>> -> memref<1x50xi32, #tpu.memory_space<vmem>>
        %dma_start3A_989 = tpu.memref_squeeze %dma_start3A_988 : memref<1x50xi32, #tpu.memory_space<vmem>> -> memref<50xi32, #tpu.memory_space<vmem>>
        %dma_start3A_990 = arith.constant 0 : i32
        %dma_start3A_991 = arith.constant 0 : i32
        %dma_start3A_992 = tpu.memref_slice %arg3[%dma_start3A_990, %dma_start3A_991] : memref<1000000x32xf32, #tpu.memory_space<hbm>> -> memref<1000000x32xf32, #tpu.memory_space<hbm>>
        tpu.enqueue_indirect_dma source(%dma_start3A_992 : memref<1000000x32xf32, #tpu.memory_space<hbm>>) target(%dma_start3A_986 : memref<50x32xf32, #tpu.memory_space<vmem>>) offsets(%dma_start3A_989 : memref<50xi32, #tpu.memory_space<vmem>>) semaphore(%arg8 : memref<!tpu.dma_semaphore, #tpu.memory_space<semaphore_mem>>)
        %mul3A_993 = arith.constant 16 : i32
        %mul3A_994 = arith.muli %add3A_872, %mul3A_993 : i32
        %add3A_995 = arith.constant 8 : i32
        %add3A_996 = arith.addi %mul3A_994, %add3A_995 : i32
        %dma_start3A_997 = arith.constant 8 : i32
        %dma_start3A_998 = arith.constant 0 : i32
        %dma_start3A_999 = arith.constant 0 : i32
        %dma_start3A_1000 = tpu.memref_slice %arg6[%dma_start3A_997, %dma_start3A_998, %dma_start3A_999] : memref<16x50x32xf32, #tpu.memory_space<vmem>> -> memref<1x50x32xf32, #tpu.memory_space<vmem>>
        %dma_start3A_1001 = tpu.memref_squeeze %dma_start3A_1000 : memref<1x50x32xf32, #tpu.memory_space<vmem>> -> memref<50x32xf32, #tpu.memory_space<vmem>>
        %dma_start3A_1002 = arith.constant 0 : i32
        %dma_start3A_1003 = tpu.memref_slice %arg5[%add3A_996, %dma_start3A_1002] : memref<512x50xi32, #tpu.memory_space<vmem>> -> memref<1x50xi32, #tpu.memory_space<vmem>>
        %dma_start3A_1004 = tpu.memref_squeeze %dma_start3A_1003 : memref<1x50xi32, #tpu.memory_space<vmem>> -> memref<50xi32, #tpu.memory_space<vmem>>
        %dma_start3A_1005 = arith.constant 0 : i32
        %dma_start3A_1006 = arith.constant 0 : i32
        %dma_start3A_1007 = tpu.memref_slice %arg3[%dma_start3A_1005, %dma_start3A_1006] : memref<1000000x32xf32, #tpu.memory_space<hbm>> -> memref<1000000x32xf32, #tpu.memory_space<hbm>>
        tpu.enqueue_indirect_dma source(%dma_start3A_1007 : memref<1000000x32xf32, #tpu.memory_space<hbm>>) target(%dma_start3A_1001 : memref<50x32xf32, #tpu.memory_space<vmem>>) offsets(%dma_start3A_1004 : memref<50xi32, #tpu.memory_space<vmem>>) semaphore(%arg8 : memref<!tpu.dma_semaphore, #tpu.memory_space<semaphore_mem>>)
        %mul3A_1008 = arith.constant 16 : i32
        %mul3A_1009 = arith.muli %add3A_872, %mul3A_1008 : i32
        %add3A_1010 = arith.constant 9 : i32
        %add3A_1011 = arith.addi %mul3A_1009, %add3A_1010 : i32
        %dma_start3A_1012 = arith.constant 9 : i32
        %dma_start3A_1013 = arith.constant 0 : i32
        %dma_start3A_1014 = arith.constant 0 : i32
        %dma_start3A_1015 = tpu.memref_slice %arg6[%dma_start3A_1012, %dma_start3A_1013, %dma_start3A_1014] : memref<16x50x32xf32, #tpu.memory_space<vmem>> -> memref<1x50x32xf32, #tpu.memory_space<vmem>>
        %dma_start3A_1016 = tpu.memref_squeeze %dma_start3A_1015 : memref<1x50x32xf32, #tpu.memory_space<vmem>> -> memref<50x32xf32, #tpu.memory_space<vmem>>
        %dma_start3A_1017 = arith.constant 0 : i32
        %dma_start3A_1018 = tpu.memref_slice %arg5[%add3A_1011, %dma_start3A_1017] : memref<512x50xi32, #tpu.memory_space<vmem>> -> memref<1x50xi32, #tpu.memory_space<vmem>>
        %dma_start3A_1019 = tpu.memref_squeeze %dma_start3A_1018 : memref<1x50xi32, #tpu.memory_space<vmem>> -> memref<50xi32, #tpu.memory_space<vmem>>
        %dma_start3A_1020 = arith.constant 0 : i32
        %dma_start3A_1021 = arith.constant 0 : i32
        %dma_start3A_1022 = tpu.memref_slice %arg3[%dma_start3A_1020, %dma_start3A_1021] : memref<1000000x32xf32, #tpu.memory_space<hbm>> -> memref<1000000x32xf32, #tpu.memory_space<hbm>>
        tpu.enqueue_indirect_dma source(%dma_start3A_1022 : memref<1000000x32xf32, #tpu.memory_space<hbm>>) target(%dma_start3A_1016 : memref<50x32xf32, #tpu.memory_space<vmem>>) offsets(%dma_start3A_1019 : memref<50xi32, #tpu.memory_space<vmem>>) semaphore(%arg8 : memref<!tpu.dma_semaphore, #tpu.memory_space<semaphore_mem>>)
        %mul3A_1023 = arith.constant 16 : i32
        %mul3A_1024 = arith.muli %add3A_872, %mul3A_1023 : i32
        %add3A_1025 = arith.constant 10 : i32
        %add3A_1026 = arith.addi %mul3A_1024, %add3A_1025 : i32
        %dma_start3A_1027 = arith.constant 10 : i32
        %dma_start3A_1028 = arith.constant 0 : i32
        %dma_start3A_1029 = arith.constant 0 : i32
        %dma_start3A_1030 = tpu.memref_slice %arg6[%dma_start3A_1027, %dma_start3A_1028, %dma_start3A_1029] : memref<16x50x32xf32, #tpu.memory_space<vmem>> -> memref<1x50x32xf32, #tpu.memory_space<vmem>>
        %dma_start3A_1031 = tpu.memref_squeeze %dma_start3A_1030 : memref<1x50x32xf32, #tpu.memory_space<vmem>> -> memref<50x32xf32, #tpu.memory_space<vmem>>
        %dma_start3A_1032 = arith.constant 0 : i32
        %dma_start3A_1033 = tpu.memref_slice %arg5[%add3A_1026, %dma_start3A_1032] : memref<512x50xi32, #tpu.memory_space<vmem>> -> memref<1x50xi32, #tpu.memory_space<vmem>>
        %dma_start3A_1034 = tpu.memref_squeeze %dma_start3A_1033 : memref<1x50xi32, #tpu.memory_space<vmem>> -> memref<50xi32, #tpu.memory_space<vmem>>
        %dma_start3A_1035 = arith.constant 0 : i32
        %dma_start3A_1036 = arith.constant 0 : i32
        %dma_start3A_1037 = tpu.memref_slice %arg3[%dma_start3A_1035, %dma_start3A_1036] : memref<1000000x32xf32, #tpu.memory_space<hbm>> -> memref<1000000x32xf32, #tpu.memory_space<hbm>>
        tpu.enqueue_indirect_dma source(%dma_start3A_1037 : memref<1000000x32xf32, #tpu.memory_space<hbm>>) target(%dma_start3A_1031 : memref<50x32xf32, #tpu.memory_space<vmem>>) offsets(%dma_start3A_1034 : memref<50xi32, #tpu.memory_space<vmem>>) semaphore(%arg8 : memref<!tpu.dma_semaphore, #tpu.memory_space<semaphore_mem>>)
        %mul3A_1038 = arith.constant 16 : i32
        %mul3A_1039 = arith.muli %add3A_872, %mul3A_1038 : i32
        %add3A_1040 = arith.constant 11 : i32
        %add3A_1041 = arith.addi %mul3A_1039, %add3A_1040 : i32
        %dma_start3A_1042 = arith.constant 11 : i32
        %dma_start3A_1043 = arith.constant 0 : i32
        %dma_start3A_1044 = arith.constant 0 : i32
        %dma_start3A_1045 = tpu.memref_slice %arg6[%dma_start3A_1042, %dma_start3A_1043, %dma_start3A_1044] : memref<16x50x32xf32, #tpu.memory_space<vmem>> -> memref<1x50x32xf32, #tpu.memory_space<vmem>>
        %dma_start3A_1046 = tpu.memref_squeeze %dma_start3A_1045 : memref<1x50x32xf32, #tpu.memory_space<vmem>> -> memref<50x32xf32, #tpu.memory_space<vmem>>
        %dma_start3A_1047 = arith.constant 0 : i32
        %dma_start3A_1048 = tpu.memref_slice %arg5[%add3A_1041, %dma_start3A_1047] : memref<512x50xi32, #tpu.memory_space<vmem>> -> memref<1x50xi32, #tpu.memory_space<vmem>>
        %dma_start3A_1049 = tpu.memref_squeeze %dma_start3A_1048 : memref<1x50xi32, #tpu.memory_space<vmem>> -> memref<50xi32, #tpu.memory_space<vmem>>
        %dma_start3A_1050 = arith.constant 0 : i32
        %dma_start3A_1051 = arith.constant 0 : i32
        %dma_start3A_1052 = tpu.memref_slice %arg3[%dma_start3A_1050, %dma_start3A_1051] : memref<1000000x32xf32, #tpu.memory_space<hbm>> -> memref<1000000x32xf32, #tpu.memory_space<hbm>>
        tpu.enqueue_indirect_dma source(%dma_start3A_1052 : memref<1000000x32xf32, #tpu.memory_space<hbm>>) target(%dma_start3A_1046 : memref<50x32xf32, #tpu.memory_space<vmem>>) offsets(%dma_start3A_1049 : memref<50xi32, #tpu.memory_space<vmem>>) semaphore(%arg8 : memref<!tpu.dma_semaphore, #tpu.memory_space<semaphore_mem>>)
        %mul3A_1053 = arith.constant 16 : i32
        %mul3A_1054 = arith.muli %add3A_872, %mul3A_1053 : i32
        %add3A_1055 = arith.constant 12 : i32
        %add3A_1056 = arith.addi %mul3A_1054, %add3A_1055 : i32
        %dma_start3A_1057 = arith.constant 12 : i32
        %dma_start3A_1058 = arith.constant 0 : i32
        %dma_start3A_1059 = arith.constant 0 : i32
        %dma_start3A_1060 = tpu.memref_slice %arg6[%dma_start3A_1057, %dma_start3A_1058, %dma_start3A_1059] : memref<16x50x32xf32, #tpu.memory_space<vmem>> -> memref<1x50x32xf32, #tpu.memory_space<vmem>>
        %dma_start3A_1061 = tpu.memref_squeeze %dma_start3A_1060 : memref<1x50x32xf32, #tpu.memory_space<vmem>> -> memref<50x32xf32, #tpu.memory_space<vmem>>
        %dma_start3A_1062 = arith.constant 0 : i32
        %dma_start3A_1063 = tpu.memref_slice %arg5[%add3A_1056, %dma_start3A_1062] : memref<512x50xi32, #tpu.memory_space<vmem>> -> memref<1x50xi32, #tpu.memory_space<vmem>>
        %dma_start3A_1064 = tpu.memref_squeeze %dma_start3A_1063 : memref<1x50xi32, #tpu.memory_space<vmem>> -> memref<50xi32, #tpu.memory_space<vmem>>
        %dma_start3A_1065 = arith.constant 0 : i32
        %dma_start3A_1066 = arith.constant 0 : i32
        %dma_start3A_1067 = tpu.memref_slice %arg3[%dma_start3A_1065, %dma_start3A_1066] : memref<1000000x32xf32, #tpu.memory_space<hbm>> -> memref<1000000x32xf32, #tpu.memory_space<hbm>>
        tpu.enqueue_indirect_dma source(%dma_start3A_1067 : memref<1000000x32xf32, #tpu.memory_space<hbm>>) target(%dma_start3A_1061 : memref<50x32xf32, #tpu.memory_space<vmem>>) offsets(%dma_start3A_1064 : memref<50xi32, #tpu.memory_space<vmem>>) semaphore(%arg8 : memref<!tpu.dma_semaphore, #tpu.memory_space<semaphore_mem>>)
        %mul3A_1068 = arith.constant 16 : i32
        %mul3A_1069 = arith.muli %add3A_872, %mul3A_1068 : i32
        %add3A_1070 = arith.constant 13 : i32
        %add3A_1071 = arith.addi %mul3A_1069, %add3A_1070 : i32
        %dma_start3A_1072 = arith.constant 13 : i32
        %dma_start3A_1073 = arith.constant 0 : i32
        %dma_start3A_1074 = arith.constant 0 : i32
        %dma_start3A_1075 = tpu.memref_slice %arg6[%dma_start3A_1072, %dma_start3A_1073, %dma_start3A_1074] : memref<16x50x32xf32, #tpu.memory_space<vmem>> -> memref<1x50x32xf32, #tpu.memory_space<vmem>>
        %dma_start3A_1076 = tpu.memref_squeeze %dma_start3A_1075 : memref<1x50x32xf32, #tpu.memory_space<vmem>> -> memref<50x32xf32, #tpu.memory_space<vmem>>
        %dma_start3A_1077 = arith.constant 0 : i32
        %dma_start3A_1078 = tpu.memref_slice %arg5[%add3A_1071, %dma_start3A_1077] : memref<512x50xi32, #tpu.memory_space<vmem>> -> memref<1x50xi32, #tpu.memory_space<vmem>>
        %dma_start3A_1079 = tpu.memref_squeeze %dma_start3A_1078 : memref<1x50xi32, #tpu.memory_space<vmem>> -> memref<50xi32, #tpu.memory_space<vmem>>
        %dma_start3A_1080 = arith.constant 0 : i32
        %dma_start3A_1081 = arith.constant 0 : i32
        %dma_start3A_1082 = tpu.memref_slice %arg3[%dma_start3A_1080, %dma_start3A_1081] : memref<1000000x32xf32, #tpu.memory_space<hbm>> -> memref<1000000x32xf32, #tpu.memory_space<hbm>>
        tpu.enqueue_indirect_dma source(%dma_start3A_1082 : memref<1000000x32xf32, #tpu.memory_space<hbm>>) target(%dma_start3A_1076 : memref<50x32xf32, #tpu.memory_space<vmem>>) offsets(%dma_start3A_1079 : memref<50xi32, #tpu.memory_space<vmem>>) semaphore(%arg8 : memref<!tpu.dma_semaphore, #tpu.memory_space<semaphore_mem>>)
        %mul3A_1083 = arith.constant 16 : i32
        %mul3A_1084 = arith.muli %add3A_872, %mul3A_1083 : i32
        %add3A_1085 = arith.constant 14 : i32
        %add3A_1086 = arith.addi %mul3A_1084, %add3A_1085 : i32
        %dma_start3A_1087 = arith.constant 14 : i32
        %dma_start3A_1088 = arith.constant 0 : i32
        %dma_start3A_1089 = arith.constant 0 : i32
        %dma_start3A_1090 = tpu.memref_slice %arg6[%dma_start3A_1087, %dma_start3A_1088, %dma_start3A_1089] : memref<16x50x32xf32, #tpu.memory_space<vmem>> -> memref<1x50x32xf32, #tpu.memory_space<vmem>>
        %dma_start3A_1091 = tpu.memref_squeeze %dma_start3A_1090 : memref<1x50x32xf32, #tpu.memory_space<vmem>> -> memref<50x32xf32, #tpu.memory_space<vmem>>
        %dma_start3A_1092 = arith.constant 0 : i32
        %dma_start3A_1093 = tpu.memref_slice %arg5[%add3A_1086, %dma_start3A_1092] : memref<512x50xi32, #tpu.memory_space<vmem>> -> memref<1x50xi32, #tpu.memory_space<vmem>>
        %dma_start3A_1094 = tpu.memref_squeeze %dma_start3A_1093 : memref<1x50xi32, #tpu.memory_space<vmem>> -> memref<50xi32, #tpu.memory_space<vmem>>
        %dma_start3A_1095 = arith.constant 0 : i32
        %dma_start3A_1096 = arith.constant 0 : i32
        %dma_start3A_1097 = tpu.memref_slice %arg3[%dma_start3A_1095, %dma_start3A_1096] : memref<1000000x32xf32, #tpu.memory_space<hbm>> -> memref<1000000x32xf32, #tpu.memory_space<hbm>>
        tpu.enqueue_indirect_dma source(%dma_start3A_1097 : memref<1000000x32xf32, #tpu.memory_space<hbm>>) target(%dma_start3A_1091 : memref<50x32xf32, #tpu.memory_space<vmem>>) offsets(%dma_start3A_1094 : memref<50xi32, #tpu.memory_space<vmem>>) semaphore(%arg8 : memref<!tpu.dma_semaphore, #tpu.memory_space<semaphore_mem>>)
        %mul3A_1098 = arith.constant 16 : i32
        %mul3A_1099 = arith.muli %add3A_872, %mul3A_1098 : i32
        %add3A_1100 = arith.constant 15 : i32
        %add3A_1101 = arith.addi %mul3A_1099, %add3A_1100 : i32
        %dma_start3A_1102 = arith.constant 15 : i32
        %dma_start3A_1103 = arith.constant 0 : i32
        %dma_start3A_1104 = arith.constant 0 : i32
        %dma_start3A_1105 = tpu.memref_slice %arg6[%dma_start3A_1102, %dma_start3A_1103, %dma_start3A_1104] : memref<16x50x32xf32, #tpu.memory_space<vmem>> -> memref<1x50x32xf32, #tpu.memory_space<vmem>>
        %dma_start3A_1106 = tpu.memref_squeeze %dma_start3A_1105 : memref<1x50x32xf32, #tpu.memory_space<vmem>> -> memref<50x32xf32, #tpu.memory_space<vmem>>
        %dma_start3A_1107 = arith.constant 0 : i32
        %dma_start3A_1108 = tpu.memref_slice %arg5[%add3A_1101, %dma_start3A_1107] : memref<512x50xi32, #tpu.memory_space<vmem>> -> memref<1x50xi32, #tpu.memory_space<vmem>>
        %dma_start3A_1109 = tpu.memref_squeeze %dma_start3A_1108 : memref<1x50xi32, #tpu.memory_space<vmem>> -> memref<50xi32, #tpu.memory_space<vmem>>
        %dma_start3A_1110 = arith.constant 0 : i32
        %dma_start3A_1111 = arith.constant 0 : i32
        %dma_start3A_1112 = tpu.memref_slice %arg3[%dma_start3A_1110, %dma_start3A_1111] : memref<1000000x32xf32, #tpu.memory_space<hbm>> -> memref<1000000x32xf32, #tpu.memory_space<hbm>>
        tpu.enqueue_indirect_dma source(%dma_start3A_1112 : memref<1000000x32xf32, #tpu.memory_space<hbm>>) target(%dma_start3A_1106 : memref<50x32xf32, #tpu.memory_space<vmem>>) offsets(%dma_start3A_1109 : memref<50xi32, #tpu.memory_space<vmem>>) semaphore(%arg8 : memref<!tpu.dma_semaphore, #tpu.memory_space<semaphore_mem>>)
      } else {
      }
      %add3A_860 = arith.constant 1 : i32
      %add3A_861 = arith.addi %mul3A_210, %add3A_860 : i32
      %mul3A_862 = arith.constant 16 : i32
      %mul3A_863 = arith.muli %add3A_861, %mul3A_862 : i32
      %add3A_864 = arith.addi %mul3A_2, %mul3A_863 : i32
      %dma_start3A_865 = arith.constant 0 : i32
      %dma_start3A_866 = arith.constant 0 : i32
      %dma_start3A_867 = tpu.memref_slice %arg4[%add3A_864, %dma_start3A_865, %dma_start3A_866] : memref<16384x50x32xf32, #tpu.memory_space<hbm>> -> memref<16x50x32xf32, #tpu.memory_space<hbm>>
      %dma_start3A_868 = arith.constant 0 : i32
      %dma_start3A_869 = arith.constant 0 : i32
      %dma_start3A_870 = tpu.memref_slice %arg4[%add3A_864, %dma_start3A_868, %dma_start3A_869] : memref<16384x50x32xf32, #tpu.memory_space<hbm>> -> memref<16x50x32xf32, #tpu.memory_space<hbm>>
      tpu.enqueue_dma source(%arg7 : memref<16x50x32xf32, #tpu.memory_space<vmem>>) target(%dma_start3A_870 : memref<16x50x32xf32, #tpu.memory_space<hbm>>) target_semaphore(%arg11 : memref<!tpu.dma_semaphore, #tpu.memory_space<semaphore_mem>>)
    }
    %scan3A_200 = arith.constant 16 : i32
    %dma_wait3A = arith.constant 0 : i32
    %dma_wait3A_201 = arith.constant 0 : i32
    %dma_wait3A_202 = arith.constant 0 : i32
    %dma_wait3A_203 = tpu.memref_slice %arg4[%dma_wait3A, %dma_wait3A_201, %dma_wait3A_202] : memref<16384x50x32xf32, #tpu.memory_space<hbm>> -> memref<16x50x32xf32, #tpu.memory_space<hbm>>
    %dma_wait3A_204 = arith.constant 0 : i32
    %dma_wait3A_205 = arith.constant 0 : i32
    %dma_wait3A_206 = arith.constant 0 : i32
    %dma_wait3A_207 = tpu.memref_slice %arg4[%dma_wait3A_204, %dma_wait3A_205, %dma_wait3A_206] : memref<16384x50x32xf32, #tpu.memory_space<hbm>> -> memref<16x50x32xf32, #tpu.memory_space<hbm>>
    tpu.wait_dma2 semaphore(%arg11 : memref<!tpu.dma_semaphore, #tpu.memory_space<semaphore_mem>>) src(%arg7 : memref<16x50x32xf32, #tpu.memory_space<vmem>>) dst(%dma_wait3A_207 : memref<16x50x32xf32, #tpu.memory_space<hbm>>)
    return
  }
}

</mosaic_0001>

<sc_bundles>
// kernel: kernel.3.cloned.1.call-start
scs
__scs_entry_jumppad:
0x0: {  	(pc) =	sbr.rel $0x88, $3  }
0x1: {  	(tag) =	ssettag $0x0;
	lr =	simm.s32 $0x1  }
0x2: {  	[smem:$0x3F9F] =	sst lr;
	_ =	strace $0xD0000000  }
0x3: {  	_ = 	snop  }
0x4: {  	_ = 	snop  }
0x5: {  	_ = 	snop  }
0x6: {  	_ = 	snop  }
0x7: {  	_ = 	snop  }
__scs_overlays_trampoline_lowered:
0x8: {  	[smem:$0x3FAE] =	sst s0  }
0x9: {  	[smem:$0x3FAF] =	sst s1  }
0xa: {  	[smem:$0x3FB0] =	sst s2  }
0xb: {  	[smem:$0x3FB1] =	sst s3  }
0xc: {  	[smem:$0x3FB2] =	sst s4  }
0xd: {  	[smem:$0x3FB3] =	sst s5  }
0xe: {  	[smem:$0x3FB4] =	sst s6  }
0xf: {  	[smem:$0x3FB5] =	sst s7  }
0x10: {  	[smem:$0x3FB6] =	sst s8  }
0x11: {  	[smem:$0x3FB7] =	sst s9;
	s0 =	simm.s32 @!p0 $0x0  }
0x12: {  	s1 =	sld [smem:$0x3F9D];
	s0 =	simm.s32 @p0 $0x1  }
0x13: {  	[smem:$0x3FB8] =	sst s0;
	s0 =	simm.s32 @!p1 $0x0  }
0x14: {  	s2 =	sld [smem:$0x3F9C];
	s0 =	simm.s32 @p1 $0x1  }
0x15: {  	[smem:$0x3FB9] =	sst s0;
	s0 =	simm.s32 @!p2 $0x0  }
0x16: {  	s3 =	sld [smem:$0x3FDB];
	s0 =	simm.s32 @p2 $0x1  }
0x17: {  	s4 =	simm.s32 $0x1BF5;
	[smem:$0x3FBB] =	sst s0  }
0x18: {  	s0 =	sld [smem:$0x3F9E];
	_ =	swait.ge [sflag:s4], $0x0  }
0x19: {  	s7 =	sld [smem:$0x3F9F]  }
0x1a: {  	s8 =	sadd.s32 $0xFFFFE003, lr  }
0x1b: {  	s9 =	sadd.s32 $0xFFFFFEF7, lr;
	s5 =	simm.s32 $0xFFFFFFFF;
	p2 =	slt.u32 s8, $0xFFFFF086  }
0x1c: {  	p1 =	slt.u32 s9, $0xF7A;
	s5 =	simm.s32 @!p2 $0x0  }
0x1d: {  	s5 =	simm.s32 @p1 $0x1;
	p0 =	seq.s32 s7, s2  }
0x1e: {  	s7 =	smul.u32 @!p0 $0xF7A, s2;
	p2 =	seq.s32 @!p0 s5, $0x0  }
0x1f: {  	s9 =	smul.u32 $0xF7A, s1;
	s8 =	simm.s32 @!p0 $0x1BF5;
	p2 =	por !p2, p0  }
0x20: {  	[sflag:s8] =	ssyncset.s32 @!p0 $0xFFFFF086;
	s6 =	sadd.s32 @!p0 s3, s7;
	s7 =	simm.s32 @!p0 $0x108  }
0x21: {  	s3 =	sadd.s32 s3, s9;
	s6 =	sadd.s32 @!p0 $0x88, s6;
	s7 =	simm.s32 @p2 $0x1082  }
0x22: {  	[simem:s7], [sflag:s8] =	dma.local @!p0 [hbm:s6], $0xF7A  }
0x23: {  	s9 =	sor.u32 $0xD0000000, s2;
	s6 =	simm.s32 $0x108;
	_ =	swait.ge @!p0 [sflag:s8], $0x0  }
0x24: {  	s3 =	sadd.s32 $0x88, s3;
	s6 =	simm.s32 @!p1 $0x1082;
	[sflag:s4] =	ssyncset.s32 $0xFFFFF086  }
0x25: {  	[simem:s6], [sflag:s4] =	dma.local [hbm:s3], $0xF7A  }
0x26: {  	[smem:$0x3F9F] =	sst s1;
	(tag) =	ssettag s2;
	_ =	strace s9  }
0x27: {  	s1 =	sld [smem:$0x3FAF]  }
0x28: {  	s2 =	sld [smem:$0x3FB0]  }
0x29: {  	s4 =	sld [smem:$0x3FB2]  }
0x2a: {  	p0 =	seq.s32 s5, $0x0;
	s5 =	sld [smem:$0x3FB3]  }
0x2b: {  	s6 =	sld [smem:$0x3FB4]  }
0x2c: {  	s7 =	sld [smem:$0x3FB5]  }
0x2d: {  	s3 =	simm.s32 $0x108;
	s8 =	sld [smem:$0x3FB6]  }
0x2e: {  	s3 =	simm.s32 @!p0 $0x1082;
	s9 =	sld [smem:$0x3FB7]  }
0x2f: {  	lr =	sadd.s32 s0, s3;
	s0 =	sld [smem:$0x3FAE]  }
0x30: {  	s3 =	sld [smem:$0x3FB1]  }
0x31: {  	[smem:$0x3FBA] =	sst s10  }
0x32: {  	s10 =	sld [smem:$0x3FB8];
	_ =	sdelay $0x3  }
0x33: {  	p0 =	seq.s32 s10, $0x1;
	s10 =	sld [smem:$0x3FBA];
	_ =	sdelay $0x3  }
0x34: {  	[smem:$0x3FBA] =	sst s10  }
0x35: {  	s10 =	sld [smem:$0x3FB9];
	_ =	sdelay $0x3  }
0x36: {  	p1 =	seq.s32 s10, $0x1;
	s10 =	sld [smem:$0x3FBA];
	_ =	sdelay $0x3  }
0x37: {  	[smem:$0x3FBA] =	sst s10  }
0x38: {  	s10 =	sld [smem:$0x3FBB]  }
0x39: {  	_ = 	snop;
	(pc) =	sbr.ind lr, $3  }
0x3a: {  	_ = 	snop  }
0x3b: {  	_ = 	snop  }
0x3c: {  	p2 =	seq.s32 s10, $0x1;
	s10 =	sld [smem:$0x3FBA]  }
0x3d: {  	_ =	shalt  }
0x3e: {  	_ =	shalt  }
0x3f: {  	_ =	shalt  }
0x40: {  	_ =	shalt  }
0x41: {  	_ =	shalt  }
0x42: {  	_ =	shalt  }
0x43: {  	_ =	shalt  }
0x44: {  	_ =	shalt  }
0x45: {  	_ =	shalt  }
0x46: {  	_ =	shalt  }
0x47: {  	_ =	shalt  }
0x48: {  	_ =	shalt  }
0x49: {  	_ =	shalt  }
0x4a: {  	_ =	shalt  }
0x4b: {  	_ =	shalt  }
0x4c: {  	_ =	shalt  }
0x4d: {  	_ =	shalt  }
0x4e: {  	_ =	shalt  }
0x4f: {  	_ =	shalt  }
0x50: {  	_ =	shalt  }
0x51: {  	_ =	shalt  }
0x52: {  	_ =	shalt  }
0x53: {  	_ =	shalt  }
0x54: {  	_ =	shalt  }
0x55: {  	_ =	shalt  }
0x56: {  	_ =	shalt  }
0x57: {  	_ =	shalt  }
0x58: {  	_ =	shalt  }
0x59: {  	_ =	shalt  }
0x5a: {  	_ =	shalt  }
0x5b: {  	_ =	shalt  }
0x5c: {  	_ =	shalt  }
0x5d: {  	_ =	shalt  }
0x5e: {  	_ =	shalt  }
0x5f: {  	_ =	shalt  }
0x60: {  	_ =	shalt  }
0x61: {  	_ =	shalt  }
0x62: {  	_ =	shalt  }
0x63: {  	_ =	shalt  }
0x64: {  	_ =	shalt  }
0x65: {  	_ =	shalt  }
0x66: {  	_ =	shalt  }
0x67: {  	_ =	shalt  }
0x68: {  	_ =	shalt  }
0x69: {  	_ =	shalt  }
0x6a: {  	_ =	shalt  }
0x6b: {  	_ =	shalt  }
0x6c: {  	_ =	shalt  }
0x6d: {  	_ =	shalt  }
0x6e: {  	_ =	shalt  }
0x6f: {  	_ =	shalt  }
0x70: {  	_ =	shalt  }
0x71: {  	_ =	shalt  }
0x72: {  	_ =	shalt  }
0x73: {  	_ =	shalt  }
0x74: {  	_ =	shalt  }
0x75: {  	_ =	shalt  }
0x76: {  	_ =	shalt  }
0x77: {  	_ =	shalt  }
0x78: {  	_ =	shalt  }
0x79: {  	_ =	shalt  }
0x7a: {  	_ =	shalt  }
0x7b: {  	_ =	shalt  }
0x7c: {  	_ =	shalt  }
0x7d: {  	_ =	shalt  }
0x7e: {  	_ =	shalt  }
0x7f: {  	_ =	shalt  }
0x80: {  	_ =	shalt  }
0x81: {  	_ =	shalt  }
0x82: {  	_ =	shalt  }
0x83: {  	_ =	shalt  }
0x84: {  	_ =	shalt  }
0x85: {  	_ =	shalt  }
0x86: {  	_ =	shalt  }
0x87: {  	_ =	shalt  }
.Lfunc_end0:
.L_simem_size_0:
called_computation.1_lowered:
.L_overlay_start_0:
0x88: {  	s2 =	sld [smem:$0x3FD9]  }
0x89: {  	s3 =	sld [smem:$0x3FFE];
	_ =	sdelay $0x1  }
0x8a: {  	s1 =	srdreg.scid  }
0x8b: {  	s0 =	sand.u32 $0x1, s1  }
0x8c: {  	s17 =	sshll.u32 s0, $0xA;
	s2 =	sadd.s32 s3, s2  }
0x8d: {  	s2 =	sadd.s32 s2, s17  }
0x8e: {  	[smem:$0x3FC6] =	sst s2  }
0x8f: {  	_ = 	snop  }
0x90: {  	s2 =	sld [smem:$0x3FD0];
	(tm) =	ssettm $0x1  }
0x91: {  	s18 =	sld [smem:$0x3FFB];
	_ =	sdelay $0x3  }
0x92: {  	_ =	strace s18  }
0x93: {  	s3 =	sld [smem:$0x3FFC];
	_ =	sdelay $0x3  }
0x94: {  	_ =	strace s3  }
0x95: {  	s3 =	sld [smem:$0x3FFD];
	_ =	sdelay $0x3  }
0x96: {  	_ =	strace s3  }
0x97: {  	_ =	strace $0x8FFFFFFF  }
0x98: {  	s19 =	sld [smem:$0x3FDB];
	_ =	sdelay $0x1  }
0x99: {  	s4 =	simm.s32 $_scs_section_size  }
0x9a: {  	s5 =	simm.s32 $_size__tile_overlayer_lowered;
	s6 =	simm.s32 $_tile_overlayer_lowered  }
0x9b: {  	s22 =	simm.s32 $0x1BFF;
	s21 =	sshll.u32 s6, $0x1;
	s3 =	sadd.s32 s4, s19  }
0x9c: {  	s7 =	simm.s32 $0x0;
	s20 =	sshll.u32 s5, $0x1;
	s5 =	sadd.s32 s21, s3  }
0x9d: {  	[timem:s7], [sflag:s22] =	dma.local [hbm:s5], s20  }
0x9e: {  	_ =	swait.ge [sflag:s22], s20  }
0x9f: {  	s4 =	ssub.s32 $0x0, s20;
	[sflag:s22] =	ssyncset.done $0x0  }
0xa0: {  	[sflag:s22] =	ssyncadd.s32 s4;
	_ =	sdelay $0x1  }
0xa1: {  	s23 =	simm.s32 $0x1B8B  }
0xa2: {  	_ =	swait.ge [sflag:s23], $0x1  }
0xa3: {  	[sflag:s23] =	ssyncset.done $0x0  }
0xa4: {  	s25 =	simm.s32 $0x1B8E;
	s24 =	sld [smem:$0x3FFE];
	[sflag:s23] =	ssyncadd.s32 $0xFFFFFFFF  }
0xa5: {  	s26 =	simm.s32 $execute0_lowered;
	[smem:$0x3FD2] =	sst s25  }
0xa6: {  	s5 =	sshll.u32 s26, $0x1;
	_ =	strace $0x80000046;
	[dreg:$0x1] =	wrdreg $0xFFFFFFFF  }
0xa7: {  	s28 =	simm.s32 $_size_execute0_lowered;
	s3 =	sadd.s32 s3, s5;
	[dreg:$0x0] =	wrdreg $0x0  }
0xa8: {  	s5 =	sshll.u32 s28, $0x1;
	[dreg:$0x2] =	wrdreg s3  }
0xa9: {  	[dreg:$0x3] =	wrdreg s5  }
0xaa: {  	[dreg:$0x4] =	wrdreg $0xC0  }
0xab: {  	_ =	task [dreg:s7], $0x5FFFF  }
0xac: {  	[dreg:$0x1] =	wrdreg $0xFFFFFFFF  }
0xad: {  	[dreg:$0x0] =	wrdreg $0x60  }
0xae: {  	[dreg:$0x2] =	wrdreg s24  }
0xaf: {  	[dreg:$0x3] =	wrdreg s2  }
0xb0: {  	[dreg:$0x4] =	wrdreg $0x9  }
0xb1: {  	_ =	task.clear_ibuf [dreg:s7], $0x5FFFF;
	_ =	strace $0x90000046  }
0xb2: {  	s29 =	simm.s32 $0x9;
	_ =	strace $0x80000048  }
0xb3: {  	_ =	swait.ge [sflag:s29], $0x1  }
0xb4: {  	[sflag:s29] =	ssyncadd.s32 $0xFFFFFFFF  }
0xb5: {  	_ =	strace $0x90000048  }
0xb6: {  	_ =	sfence  }
0xb7: {  	s30 =	sld [smem:$0x0];
	_ =	sdelay $0x2  }
0xb8: {  	s31 =	sshll.u32 s1, $0xD;
	s1 =	sshrl.u32 s1, $0x2  }
0xb9: {  	s3 =	sand.u32 $0x4000, s31;
	s1 =	sadd.s32 s1, s30  }
0xba: {  	s0 =	sor.u32 s3, s0;
	s1 =	sshll.u32 s1, $0x11  }
0xbb: {  	s0 =	sor.u32 s1, s0  }
0xbc: {  	s0 =	sadd.s32 $0x8F2B, s0  }
0xbd: {  	[sflag:s0] =	ssyncadd.remote.s32 $0x1  }
0xbe: {  	_ =	sfence.sel $0xFFFF  }
0xbf: {  	[dreg:$0x0] =	wrdreg $0xFFFFFFFF;
	(pc) =	sbr.abs _section_cstart, $3  }
0xc0: {  	[dreg:$0x1] =	wrdreg $0xFFFFFFFF  }
0xc1: {  	_ =	task.clear_ibuf [dreg:s7], $0x2FFFF;
	_ =	strace $0x9FFFFFFF  }
0xc2: {  	(tm) =	ssettm $0x7FFFFFFF  }
0xc3: {  	_ =	shalt  }
tec
execute0_lowered:
.L_overlay_start_1:
0x0: {  	(tag) =	ssettag $0x1  }
0x1: {  	s1 =	rddreg [dreg:$0x0]  }
0x2: {  	s4 =	rddreg [dreg:$0x1];
	s2 =	simm.s32 $0x0  }
0x3: {  	s16 =	simm.s32 $0xDA40;
	[smem:$0x7FF] =	sst s2  }
0x4: {  	s17 =	simm.s32 $0xE080;
	_ =	strace $0x80000047;
	[dreg:$0x3] =	wrdreg s16  }
0x5: {  	s18 =	simm.s32 $0xE6C0;
	[dreg:$0x4] =	wrdreg s17  }
0x6: {  	s19 =	simm.s32 $0xED00;
	[dreg:$0x5] =	wrdreg s18  }
0x7: {  	s20 =	simm.s32 $0xF340;
	[dreg:$0x6] =	wrdreg s19  }
0x8: {  	s21 =	simm.s32 $0xF980;
	[dreg:$0x7] =	wrdreg s20  }
0x9: {  	s22 =	simm.s32 $0xFFC0;
	[dreg:$0x8] =	wrdreg s21  }
0xa: {  	s0 =	srdreg.scid;
	s23 =	simm.s32 $0x10600;
	[dreg:$0x9] =	wrdreg s22  }
0xb: {  	s6 =	stileid.u32;
	s24 =	simm.s32 $0x10C40;
	[dreg:$0xa] =	wrdreg s23  }
0xc: {  	s9 =	simm.s32 $0x7000;
	s25 =	simm.s32 $0x11280;
	[dreg:$0xb] =	wrdreg s24  }
0xd: {  	s26 =	simm.s32 $0x118C0;
	s28 =	simm.s32 $0x11F00;
	[dreg:$0xc] =	wrdreg s25  }
0xe: {  	s29 =	simm.s32 $0x12540;
	s30 =	simm.s32 $0x12B80;
	[dreg:$0xd] =	wrdreg s26  }
0xf: {  	s31 =	simm.s32 $0x131C0;
	s13 =	simm.s32 $0x310;
	[dreg:$0xe] =	wrdreg s28  }
0x10: {  	s0 =	sand.u32 $0x1, s0;
	s3 =	sshll.u32 s6, $0xA;
	[dreg:$0xf] =	wrdreg s29  }
0x11: {  	s6 =	smul.u32 $0x32000, s6;
	s5 =	sshll.u32 s0, $0x9;
	[dreg:$0x10] =	wrdreg s30  }
0x12: {  	s14 =	ssub.s32 $0x2, s0;
	s0 =	smul.u32 $0x19000, s0;
	[dreg:$0x11] =	wrdreg s31  }
0x13: {  	s16 =	simm.s32 $0xCDC0;
	s17 =	simm.s32 $0x1;
	s18 =	simm.s32 $0xD400  }
0x14: {  	s19 =	simm.s32 $0x2;
	s20 =	simm.s32 $0x3;
	s21 =	simm.s32 $0x4  }
0x15: {  	s22 =	simm.s32 $0x0;
	s3 =	sor.u32 s5, s3;
	s8 =	sshrl.u32 s14, $0x1  }
0x16: {  	s6 =	sadd.s32 s6, s4;
	s3 =	smul.u32 $0x7, s3;
	s15 =	ssub.s32 s14, s8  }
0x17: {  	s6 =	sadd.s32 s0, s6;
	s8 =	simm.s32 $0x32;
	s14 =	simm.s32 $0xC780  }
0x18: {  	s5 =	smax.u32 s15, $0x1;
	s15 =	simm.s32 $0x348;
	s7 =	sadd.s32 s3, s1  }
0x19: {  	s3 =	sadd.s32 $0xF42E00, s1;
	s4 =	sadd.s32 $0xA00, s7;
	s7 =	simm.s32 $0x5  }
.LBB2_1:
0x1a: {  	[tilespmem:s2], [sflag:$0x5] =	stream.linear.gather [hbm4b:s4+s2], $0x7000, $0x38;
	[tilespmem:$0x13800] =	vst v63  }
0x1b: {  	_ =	swait.ge [sflag:s7], $0x7000  }
0x1c: {  	[sflag:s7] =	ssyncset.done $0x0  }
0x1d: {  	[sflag:s7] =	ssyncadd.s32 $0xFFFF9000  }
0x1e: {  	[tilespmem:s9], [sflag:$0x1] =	stream.indirect.gather [hbm4b:s3+s8], $0x20, s2, s8, $0xb8;
	[tilespmem:$0x13800] =	vst v63  }
0x1f: {  	s0 =	simm.s32 $0x38;
	s1 =	simm.s32 $0x7640  }
0x20: {  	[tilespmem:s1], [sflag:$0x1] =	stream.indirect.gather [hbm4b:s3+s8], $0x20, s0, s8, $0xb8;
	[tilespmem:$0x13800] =	vst v63  }
0x21: {  	s10 =	simm.s32 $0x7C80;
	s1 =	simm.s32 $0x70  }
0x22: {  	[tilespmem:s10], [sflag:$0x1] =	stream.indirect.gather [hbm4b:s3+s8], $0x20, s1, s8, $0xb8;
	[tilespmem:$0x13800] =	vst v63  }
0x23: {  	s11 =	simm.s32 $0xA8;
	s12 =	simm.s32 $0x82C0  }
0x24: {  	[tilespmem:s12], [sflag:$0x1] =	stream.indirect.gather [hbm4b:s3+s8], $0x20, s11, s8, $0xb8;
	[tilespmem:$0x13800] =	vst v63  }
0x25: {  	s23 =	simm.s32 $0xE0;
	s24 =	simm.s32 $0x8900  }
0x26: {  	[tilespmem:s24], [sflag:$0x1] =	stream.indirect.gather [hbm4b:s3+s8], $0x20, s23, s8, $0xb8;
	[tilespmem:$0x13800] =	vst v63  }
0x27: {  	s25 =	simm.s32 $0x118;
	s26 =	simm.s32 $0x8F40  }
0x28: {  	[tilespmem:s26], [sflag:$0x1] =	stream.indirect.gather [hbm4b:s3+s8], $0x20, s25, s8, $0xb8;
	[tilespmem:$0x13800] =	vst v63  }
0x29: {  	s28 =	simm.s32 $0x150;
	s29 =	simm.s32 $0x9580  }
0x2a: {  	[tilespmem:s29], [sflag:$0x1] =	stream.indirect.gather [hbm4b:s3+s8], $0x20, s28, s8, $0xb8;
	[tilespmem:$0x13800] =	vst v63  }
0x2b: {  	s30 =	simm.s32 $0x188;
	s31 =	simm.s32 $0x9BC0  }
0x2c: {  	[tilespmem:s31], [sflag:$0x1] =	stream.indirect.gather [hbm4b:s3+s8], $0x20, s30, s8, $0xb8;
	[tilespmem:$0x13800] =	vst v63  }
0x2d: {  	s1 =	simm.s32 $0x1C0;
	s10 =	simm.s32 $0xA200  }
0x2e: {  	[tilespmem:s10], [sflag:$0x1] =	stream.indirect.gather [hbm4b:s3+s8], $0x20, s1, s8, $0xb8;
	[tilespmem:$0x13800] =	vst v63  }
0x2f: {  	s11 =	simm.s32 $0x1F8;
	s12 =	simm.s32 $0xA840  }
0x30: {  	[tilespmem:s12], [sflag:$0x1] =	stream.indirect.gather [hbm4b:s3+s8], $0x20, s11, s8, $0xb8;
	[tilespmem:$0x13800] =	vst v63  }
0x31: {  	s23 =	simm.s32 $0x230;
	s24 =	simm.s32 $0xAE80  }
0x32: {  	[tilespmem:s24], [sflag:$0x1] =	stream.indirect.gather [hbm4b:s3+s8], $0x20, s23, s8, $0xb8;
	[tilespmem:$0x13800] =	vst v63  }
0x33: {  	s25 =	simm.s32 $0x268;
	s26 =	simm.s32 $0xB4C0  }
0x34: {  	[tilespmem:s26], [sflag:$0x1] =	stream.indirect.gather [hbm4b:s3+s8], $0x20, s25, s8, $0xb8;
	[tilespmem:$0x13800] =	vst v63  }
0x35: {  	s28 =	simm.s32 $0x2A0;
	s29 =	simm.s32 $0xBB00  }
0x36: {  	[tilespmem:s29], [sflag:$0x1] =	stream.indirect.gather [hbm4b:s3+s8], $0x20, s28, s8, $0xb8;
	[tilespmem:$0x13800] =	vst v63  }
0x37: {  	s30 =	simm.s32 $0x2D8;
	s31 =	simm.s32 $0xC140  }
0x38: {  	[tilespmem:s31], [sflag:$0x1] =	stream.indirect.gather [hbm4b:s3+s8], $0x20, s30, s8, $0xb8;
	[tilespmem:$0x13800] =	vst v63  }
0x39: {  	_ = 	snop  }
0x3a: {  	[tilespmem:s14], [sflag:$0x1] =	stream.indirect.gather [hbm4b:s3+s8], $0x20, s13, s8, $0xb8;
	[tilespmem:$0x13800] =	vst v63  }
0x3b: {  	_ = 	snop  }
0x3c: {  	[tilespmem:s16], [sflag:$0x1] =	stream.indirect.gather [hbm4b:s3+s8], $0x20, s15, s8, $0xb8;
	[tilespmem:$0x13800] =	vst v63  }
0x3d: {  	_ =	swait.ge [sflag:s17], $0x640  }
0x3e: {  	[sflag:s17] =	ssyncset.done $0x0  }
0x3f: {  	[sflag:s17] =	ssyncadd.s32 $0xFFFFF9C0  }
0x40: {  	_ =	swait.ge [sflag:s17], $0x640  }
0x41: {  	[sflag:s17] =	ssyncset.done $0x0  }
0x42: {  	[sflag:s17] =	ssyncadd.s32 $0xFFFFF9C0  }
0x43: {  	_ =	swait.ge [sflag:s17], $0x640  }
0x44: {  	[sflag:s17] =	ssyncset.done $0x0  }
0x45: {  	[sflag:s17] =	ssyncadd.s32 $0xFFFFF9C0  }
0x46: {  	_ =	swait.ge [sflag:s17], $0x640  }
0x47: {  	[sflag:s17] =	ssyncset.done $0x0  }
0x48: {  	[sflag:s17] =	ssyncadd.s32 $0xFFFFF9C0  }
0x49: {  	_ =	swait.ge [sflag:s17], $0x640  }
0x4a: {  	[sflag:s17] =	ssyncset.done $0x0  }
0x4b: {  	[sflag:s17] =	ssyncadd.s32 $0xFFFFF9C0  }
0x4c: {  	_ =	swait.ge [sflag:s17], $0x640  }
0x4d: {  	[sflag:s17] =	ssyncset.done $0x0  }
0x4e: {  	[sflag:s17] =	ssyncadd.s32 $0xFFFFF9C0  }
0x4f: {  	_ =	swait.ge [sflag:s17], $0x640  }
0x50: {  	[sflag:s17] =	ssyncset.done $0x0  }
0x51: {  	[sflag:s17] =	ssyncadd.s32 $0xFFFFF9C0  }
0x52: {  	_ =	swait.ge [sflag:s17], $0x640  }
0x53: {  	[sflag:s17] =	ssyncset.done $0x0  }
0x54: {  	[sflag:s17] =	ssyncadd.s32 $0xFFFFF9C0  }
0x55: {  	_ =	swait.ge [sflag:s17], $0x640  }
0x56: {  	[sflag:s17] =	ssyncset.done $0x0  }
0x57: {  	[sflag:s17] =	ssyncadd.s32 $0xFFFFF9C0  }
0x58: {  	_ =	swait.ge [sflag:s17], $0x640  }
0x59: {  	[sflag:s17] =	ssyncset.done $0x0  }
0x5a: {  	[sflag:s17] =	ssyncadd.s32 $0xFFFFF9C0  }
0x5b: {  	_ =	swait.ge [sflag:s17], $0x640  }
0x5c: {  	[sflag:s17] =	ssyncset.done $0x0  }
0x5d: {  	[sflag:s17] =	ssyncadd.s32 $0xFFFFF9C0  }
0x5e: {  	_ =	swait.ge [sflag:s17], $0x640  }
0x5f: {  	[sflag:s17] =	ssyncset.done $0x0  }
0x60: {  	[sflag:s17] =	ssyncadd.s32 $0xFFFFF9C0  }
0x61: {  	_ =	swait.ge [sflag:s17], $0x640  }
0x62: {  	[sflag:s17] =	ssyncset.done $0x0  }
0x63: {  	[sflag:s17] =	ssyncadd.s32 $0xFFFFF9C0  }
0x64: {  	_ =	swait.ge [sflag:s17], $0x640  }
0x65: {  	[sflag:s17] =	ssyncset.done $0x0  }
0x66: {  	[sflag:s17] =	ssyncadd.s32 $0xFFFFF9C0  }
0x67: {  	_ =	swait.ge [sflag:s17], $0x640  }
0x68: {  	[sflag:s17] =	ssyncset.done $0x0  }
0x69: {  	[sflag:s17] =	ssyncadd.s32 $0xFFFFF9C0  }
0x6a: {  	_ =	swait.ge [sflag:s17], $0x640  }
0x6b: {  	p0 =	por $0x1, $0x1;
	[sflag:s17] =	ssyncset.done $0x0  }
0x6c: {  	s23 =	simm.s32 @!p0 $0x4;
	[sflag:s17] =	ssyncadd.s32 $0xFFFFF9C0  }
0x6d: {  	_ =	swait.ge @!p0 [sflag:s23], $0x6400  }
0x6e: {  	[sflag:s23] =	ssyncset.done @!p0 $0x0  }
0x6f: {  	s1 =	simm.s32 $0x380;
	[sflag:s23] =	ssyncadd.s32 @!p0 $0xFFFF9C00  }
0x70: {  	[tilespmem:s18], [sflag:$0x2] =	stream.indirect.gather [hbm4b:s3+s8], $0x20, s1, s8, $0xb8;
	[tilespmem:$0x13800] =	vst v63  }
0x71: {  	s10 =	simm.s32 $0x3B8;
	s24 =	rddreg [dreg:$0x3]  }
0x72: {  	[tilespmem:s24], [sflag:$0x2] =	stream.indirect.gather [hbm4b:s3+s8], $0x20, s10, s8, $0xb8;
	[tilespmem:$0x13800] =	vst v63  }
0x73: {  	s11 =	simm.s32 $0x3F0;
	s25 =	rddreg [dreg:$0x4]  }
0x74: {  	[tilespmem:s25], [sflag:$0x2] =	stream.indirect.gather [hbm4b:s3+s8], $0x20, s11, s8, $0xb8;
	[tilespmem:$0x13800] =	vst v63  }
0x75: {  	s26 =	simm.s32 $0x428;
	s12 =	rddreg [dreg:$0x5]  }
0x76: {  	[tilespmem:s12], [sflag:$0x2] =	stream.indirect.gather [hbm4b:s3+s8], $0x20, s26, s8, $0xb8;
	[tilespmem:$0x13800] =	vst v63  }
0x77: {  	s29 =	simm.s32 $0x460;
	s28 =	rddreg [dreg:$0x6]  }
0x78: {  	[tilespmem:s28], [sflag:$0x2] =	stream.indirect.gather [hbm4b:s3+s8], $0x20, s29, s8, $0xb8;
	[tilespmem:$0x13800] =	vst v63  }
0x79: {  	s31 =	simm.s32 $0x498;
	s30 =	rddreg [dreg:$0x7]  }
0x7a: {  	[tilespmem:s30], [sflag:$0x2] =	stream.indirect.gather [hbm4b:s3+s8], $0x20, s31, s8, $0xb8;
	[tilespmem:$0x13800] =	vst v63  }
0x7b: {  	s0 =	rddreg [dreg:$0x8];
	s1 =	simm.s32 $0x4D0  }
0x7c: {  	[tilespmem:s0], [sflag:$0x2] =	stream.indirect.gather [hbm4b:s3+s8], $0x20, s1, s8, $0xb8;
	[tilespmem:$0x13800] =	vst v63  }
0x7d: {  	s10 =	rddreg [dreg:$0x9];
	s11 =	simm.s32 $0x508  }
0x7e: {  	[tilespmem:s10], [sflag:$0x2] =	stream.indirect.gather [hbm4b:s3+s8], $0x20, s11, s8, $0xb8;
	[tilespmem:$0x13800] =	vst v63  }
0x7f: {  	s12 =	rddreg [dreg:$0xa];
	s26 =	simm.s32 $0x540  }
0x80: {  	[tilespmem:s12], [sflag:$0x2] =	stream.indirect.gather [hbm4b:s3+s8], $0x20, s26, s8, $0xb8;
	[tilespmem:$0x13800] =	vst v63  }
0x81: {  	s28 =	rddreg [dreg:$0xb];
	s29 =	simm.s32 $0x578  }
0x82: {  	[tilespmem:s28], [sflag:$0x2] =	stream.indirect.gather [hbm4b:s3+s8], $0x20, s29, s8, $0xb8;
	[tilespmem:$0x13800] =	vst v63  }
0x83: {  	s30 =	rddreg [dreg:$0xc];
	s31 =	simm.s32 $0x5B0  }
0x84: {  	[tilespmem:s30], [sflag:$0x2] =	stream.indirect.gather [hbm4b:s3+s8], $0x20, s31, s8, $0xb8;
	[tilespmem:$0x13800] =	vst v63  }
0x85: {  	s0 =	rddreg [dreg:$0xd];
	s1 =	simm.s32 $0x5E8  }
0x86: {  	[tilespmem:s0], [sflag:$0x2] =	stream.indirect.gather [hbm4b:s3+s8], $0x20, s1, s8, $0xb8;
	[tilespmem:$0x13800] =	vst v63  }
0x87: {  	s10 =	rddreg [dreg:$0xe];
	s11 =	simm.s32 $0x620  }
0x88: {  	[tilespmem:s10], [sflag:$0x2] =	stream.indirect.gather [hbm4b:s3+s8], $0x20, s11, s8, $0xb8;
	[tilespmem:$0x13800] =	vst v63  }
0x89: {  	s12 =	rddreg [dreg:$0xf];
	s26 =	simm.s32 $0x658  }
0x8a: {  	[tilespmem:s12], [sflag:$0x2] =	stream.indirect.gather [hbm4b:s3+s8], $0x20, s26, s8, $0xb8;
	[tilespmem:$0x13800] =	vst v63  }
0x8b: {  	s28 =	rddreg [dreg:$0x10];
	s29 =	simm.s32 $0x690  }
0x8c: {  	[tilespmem:s28], [sflag:$0x2] =	stream.indirect.gather [hbm4b:s3+s8], $0x20, s29, s8, $0xb8;
	[tilespmem:$0x13800] =	vst v63  }
0x8d: {  	s30 =	rddreg [dreg:$0x11];
	s31 =	simm.s32 $0x6C8  }
0x8e: {  	[tilespmem:s30], [sflag:$0x2] =	stream.indirect.gather [hbm4b:s3+s8], $0x20, s31, s8, $0xb8;
	[tilespmem:$0x13800] =	vst v63  }
0x8f: {  	_ = 	snop  }
0x90: {  	[hbm4b:s6+s2] =	stream.linear.scatter [tilespmem:s9], [sflag:$0x3], $0x6400, $0x38;
	[tilespmem:$0x13800] =	vst v63  }
0x91: {  	_ =	swait.ge [sflag:s19], $0x640  }
0x92: {  	[sflag:s19] =	ssyncset.done $0x0  }
0x93: {  	[sflag:s19] =	ssyncadd.s32 $0xFFFFF9C0  }
0x94: {  	_ =	swait.ge [sflag:s19], $0x640  }
0x95: {  	[sflag:s19] =	ssyncset.done $0x0  }
0x96: {  	[sflag:s19] =	ssyncadd.s32 $0xFFFFF9C0  }
0x97: {  	_ =	swait.ge [sflag:s19], $0x640  }
0x98: {  	[sflag:s19] =	ssyncset.done $0x0  }
0x99: {  	[sflag:s19] =	ssyncadd.s32 $0xFFFFF9C0  }
0x9a: {  	_ =	swait.ge [sflag:s19], $0x640  }
0x9b: {  	[sflag:s19] =	ssyncset.done $0x0  }
0x9c: {  	[sflag:s19] =	ssyncadd.s32 $0xFFFFF9C0  }
0x9d: {  	_ =	swait.ge [sflag:s19], $0x640  }
0x9e: {  	[sflag:s19] =	ssyncset.done $0x0  }
0x9f: {  	[sflag:s19] =	ssyncadd.s32 $0xFFFFF9C0  }
0xa0: {  	_ =	swait.ge [sflag:s19], $0x640  }
0xa1: {  	[sflag:s19] =	ssyncset.done $0x0  }
0xa2: {  	[sflag:s19] =	ssyncadd.s32 $0xFFFFF9C0  }
0xa3: {  	_ =	swait.ge [sflag:s19], $0x640  }
0xa4: {  	[sflag:s19] =	ssyncset.done $0x0  }
0xa5: {  	[sflag:s19] =	ssyncadd.s32 $0xFFFFF9C0  }
0xa6: {  	_ =	swait.ge [sflag:s19], $0x640  }
0xa7: {  	[sflag:s19] =	ssyncset.done $0x0  }
0xa8: {  	[sflag:s19] =	ssyncadd.s32 $0xFFFFF9C0  }
0xa9: {  	_ =	swait.ge [sflag:s19], $0x640  }
0xaa: {  	[sflag:s19] =	ssyncset.done $0x0  }
0xab: {  	[sflag:s19] =	ssyncadd.s32 $0xFFFFF9C0  }
0xac: {  	_ =	swait.ge [sflag:s19], $0x640  }
0xad: {  	[sflag:s19] =	ssyncset.done $0x0  }
0xae: {  	[sflag:s19] =	ssyncadd.s32 $0xFFFFF9C0  }
0xaf: {  	_ =	swait.ge [sflag:s19], $0x640  }
0xb0: {  	[sflag:s19] =	ssyncset.done $0x0  }
0xb1: {  	[sflag:s19] =	ssyncadd.s32 $0xFFFFF9C0  }
0xb2: {  	_ =	swait.ge [sflag:s19], $0x640  }
0xb3: {  	[sflag:s19] =	ssyncset.done $0x0  }
0xb4: {  	[sflag:s19] =	ssyncadd.s32 $0xFFFFF9C0  }
0xb5: {  	_ =	swait.ge [sflag:s19], $0x640  }
0xb6: {  	[sflag:s19] =	ssyncset.done $0x0  }
0xb7: {  	[sflag:s19] =	ssyncadd.s32 $0xFFFFF9C0  }
0xb8: {  	_ =	swait.ge [sflag:s19], $0x640  }
0xb9: {  	[sflag:s19] =	ssyncset.done $0x0  }
0xba: {  	[sflag:s19] =	ssyncadd.s32 $0xFFFFF9C0  }
0xbb: {  	_ =	swait.ge [sflag:s19], $0x640  }
0xbc: {  	[sflag:s19] =	ssyncset.done $0x0  }
0xbd: {  	[sflag:s19] =	ssyncadd.s32 $0xFFFFF9C0  }
0xbe: {  	_ =	swait.ge [sflag:s19], $0x640  }
0xbf: {  	[sflag:s19] =	ssyncset.done $0x0  }
0xc0: {  	[sflag:s19] =	ssyncadd.s32 $0xFFFFF9C0  }
0xc1: {  	p0 =	por $0x0, $0x0;
	_ =	swait.ge [sflag:s20], $0x6400  }
0xc2: {  	s23 =	simm.s32 @!p0 $0x7000;
	[sflag:s20] =	ssyncset.done $0x0  }
0xc3: {  	s24 =	simm.s32 @!p0 $0x700;
	s25 =	simm.s32 @!p0 $0x32;
	[sflag:s20] =	ssyncadd.s32 $0xFFFF9C00  }
0xc4: {  	[tilespmem:s23], [sflag:$0x1] =	stream.indirect.gather @!p0 [hbm4b:s3+s25], $0x20, s24, s25, $0xb8;
	[tilespmem:$0x13800] =	vst v63  }
0xc5: {  	s23 =	simm.s32 @!p0 $0x738;
	s24 =	simm.s32 @!p0 $0x7640  }
0xc6: {  	[tilespmem:s24], [sflag:$0x1] =	stream.indirect.gather @!p0 [hbm4b:s3+s25], $0x20, s23, s25, $0xb8;
	[tilespmem:$0x13800] =	vst v63  }
0xc7: {  	s23 =	simm.s32 @!p0 $0x770;
	s24 =	simm.s32 @!p0 $0x7C80  }
0xc8: {  	[tilespmem:s24], [sflag:$0x1] =	stream.indirect.gather @!p0 [hbm4b:s3+s25], $0x20, s23, s25, $0xb8;
	[tilespmem:$0x13800] =	vst v63  }
0xc9: {  	s23 =	simm.s32 @!p0 $0x7A8;
	s24 =	simm.s32 @!p0 $0x82C0  }
0xca: {  	[tilespmem:s24], [sflag:$0x1] =	stream.indirect.gather @!p0 [hbm4b:s3+s25], $0x20, s23, s25, $0xb8;
	[tilespmem:$0x13800] =	vst v63  }
0xcb: {  	s23 =	simm.s32 @!p0 $0x7E0;
	s24 =	simm.s32 @!p0 $0x8900  }
0xcc: {  	[tilespmem:s24], [sflag:$0x1] =	stream.indirect.gather @!p0 [hbm4b:s3+s25], $0x20, s23, s25, $0xb8;
	[tilespmem:$0x13800] =	vst v63  }
0xcd: {  	s23 =	simm.s32 @!p0 $0x818;
	s24 =	simm.s32 @!p0 $0x8F40  }
0xce: {  	[tilespmem:s24], [sflag:$0x1] =	stream.indirect.gather @!p0 [hbm4b:s3+s25], $0x20, s23, s25, $0xb8;
	[tilespmem:$0x13800] =	vst v63  }
0xcf: {  	s23 =	simm.s32 @!p0 $0x850;
	s24 =	simm.s32 @!p0 $0x9580  }
0xd0: {  	[tilespmem:s24], [sflag:$0x1] =	stream.indirect.gather @!p0 [hbm4b:s3+s25], $0x20, s23, s25, $0xb8;
	[tilespmem:$0x13800] =	vst v63  }
0xd1: {  	s23 =	simm.s32 @!p0 $0x888;
	s24 =	simm.s32 @!p0 $0x9BC0  }
0xd2: {  	[tilespmem:s24], [sflag:$0x1] =	stream.indirect.gather @!p0 [hbm4b:s3+s25], $0x20, s23, s25, $0xb8;
	[tilespmem:$0x13800] =	vst v63  }
0xd3: {  	s23 =	simm.s32 @!p0 $0x8C0;
	s24 =	simm.s32 @!p0 $0xA200  }
0xd4: {  	[tilespmem:s24], [sflag:$0x1] =	stream.indirect.gather @!p0 [hbm4b:s3+s25], $0x20, s23, s25, $0xb8;
	[tilespmem:$0x13800] =	vst v63  }
0xd5: {  	s23 =	simm.s32 @!p0 $0x8F8;
	s24 =	simm.s32 @!p0 $0xA840  }
0xd6: {  	[tilespmem:s24], [sflag:$0x1] =	stream.indirect.gather @!p0 [hbm4b:s3+s25], $0x20, s23, s25, $0xb8;
	[tilespmem:$0x13800] =	vst v63  }
0xd7: {  	s23 =	simm.s32 @!p0 $0x930;
	s24 =	simm.s32 @!p0 $0xAE80  }
0xd8: {  	[tilespmem:s24], [sflag:$0x1] =	stream.indirect.gather @!p0 [hbm4b:s3+s25], $0x20, s23, s25, $0xb8;
	[tilespmem:$0x13800] =	vst v63  }
0xd9: {  	s23 =	simm.s32 @!p0 $0x968;
	s24 =	simm.s32 @!p0 $0xB4C0  }
0xda: {  	[tilespmem:s24], [sflag:$0x1] =	stream.indirect.gather @!p0 [hbm4b:s3+s25], $0x20, s23, s25, $0xb8;
	[tilespmem:$0x13800] =	vst v63  }
0xdb: {  	s23 =	simm.s32 @!p0 $0x9A0;
	s24 =	simm.s32 @!p0 $0xBB00  }
0xdc: {  	[tilespmem:s24], [sflag:$0x1] =	stream.indirect.gather @!p0 [hbm4b:s3+s25], $0x20, s23, s25, $0xb8;
	[tilespmem:$0x13800] =	vst v63  }
0xdd: {  	s23 =	simm.s32 @!p0 $0x9D8;
	s24 =	simm.s32 @!p0 $0xC140  }
0xde: {  	[tilespmem:s24], [sflag:$0x1] =	stream.indirect.gather @!p0 [hbm4b:s3+s25], $0x20, s23, s25, $0xb8;
	[tilespmem:$0x13800] =	vst v63  }
0xdf: {  	s23 =	simm.s32 @!p0 $0xA10;
	s24 =	simm.s32 @!p0 $0xC780  }
0xe0: {  	[tilespmem:s24], [sflag:$0x1] =	stream.indirect.gather @!p0 [hbm4b:s3+s25], $0x20, s23, s25, $0xb8;
	[tilespmem:$0x13800] =	vst v63  }
0xe1: {  	s23 =	simm.s32 @!p0 $0xA48;
	s24 =	simm.s32 @!p0 $0xCDC0  }
0xe2: {  	[tilespmem:s24], [sflag:$0x1] =	stream.indirect.gather @!p0 [hbm4b:s3+s25], $0x20, s23, s25, $0xb8;
	[tilespmem:$0x13800] =	vst v63  }
0xe3: {  	s23 =	simm.s32 $0x1C00;
	s25 =	sadd.s32 $0xC80, s6;
	s24 =	sadd.s32 $0x1900, s6  }
.LBB2_2:
0xe4: {  	[hbm4b:s25+s2] =	stream.linear.scatter [tilespmem:s18], [sflag:$0x4], $0x6400, $0x38;
	[tilespmem:$0x13800] =	vst v63  }
0xe5: {  	_ =	swait.ge [sflag:s17], $0x640  }
0xe6: {  	[sflag:s17] =	ssyncset.done $0x0  }
0xe7: {  	[sflag:s17] =	ssyncadd.s32 $0xFFFFF9C0  }
0xe8: {  	_ =	swait.ge [sflag:s17], $0x640  }
0xe9: {  	[sflag:s17] =	ssyncset.done $0x0  }
0xea: {  	[sflag:s17] =	ssyncadd.s32 $0xFFFFF9C0  }
0xeb: {  	_ =	swait.ge [sflag:s17], $0x640  }
0xec: {  	[sflag:s17] =	ssyncset.done $0x0  }
0xed: {  	[sflag:s17] =	ssyncadd.s32 $0xFFFFF9C0  }
0xee: {  	_ =	swait.ge [sflag:s17], $0x640  }
0xef: {  	[sflag:s17] =	ssyncset.done $0x0  }
0xf0: {  	[sflag:s17] =	ssyncadd.s32 $0xFFFFF9C0  }
0xf1: {  	_ =	swait.ge [sflag:s17], $0x640  }
0xf2: {  	[sflag:s17] =	ssyncset.done $0x0  }
0xf3: {  	[sflag:s17] =	ssyncadd.s32 $0xFFFFF9C0  }
0xf4: {  	_ =	swait.ge [sflag:s17], $0x640  }
0xf5: {  	[sflag:s17] =	ssyncset.done $0x0  }
0xf6: {  	[sflag:s17] =	ssyncadd.s32 $0xFFFFF9C0  }
0xf7: {  	_ =	swait.ge [sflag:s17], $0x640  }
0xf8: {  	[sflag:s17] =	ssyncset.done $0x0  }
0xf9: {  	[sflag:s17] =	ssyncadd.s32 $0xFFFFF9C0  }
0xfa: {  	_ =	swait.ge [sflag:s17], $0x640  }
0xfb: {  	[sflag:s17] =	ssyncset.done $0x0  }
0xfc: {  	[sflag:s17] =	ssyncadd.s32 $0xFFFFF9C0  }
0xfd: {  	_ =	swait.ge [sflag:s17], $0x640  }
0xfe: {  	[sflag:s17] =	ssyncset.done $0x0  }
0xff: {  	[sflag:s17] =	ssyncadd.s32 $0xFFFFF9C0  }
0x100: {  	_ =	swait.ge [sflag:s17], $0x640  }
0x101: {  	[sflag:s17] =	ssyncset.done $0x0  }
0x102: {  	[sflag:s17] =	ssyncadd.s32 $0xFFFFF9C0  }
0x103: {  	_ =	swait.ge [sflag:s17], $0x640  }
0x104: {  	[sflag:s17] =	ssyncset.done $0x0  }
0x105: {  	[sflag:s17] =	ssyncadd.s32 $0xFFFFF9C0  }
0x106: {  	_ =	swait.ge [sflag:s17], $0x640  }
0x107: {  	[sflag:s17] =	ssyncset.done $0x0  }
0x108: {  	[sflag:s17] =	ssyncadd.s32 $0xFFFFF9C0  }
0x109: {  	_ =	swait.ge [sflag:s17], $0x640  }
0x10a: {  	[sflag:s17] =	ssyncset.done $0x0  }
0x10b: {  	[sflag:s17] =	ssyncadd.s32 $0xFFFFF9C0  }
0x10c: {  	_ =	swait.ge [sflag:s17], $0x640  }
0x10d: {  	[sflag:s17] =	ssyncset.done $0x0  }
0x10e: {  	[sflag:s17] =	ssyncadd.s32 $0xFFFFF9C0  }
0x10f: {  	_ =	swait.ge [sflag:s17], $0x640  }
0x110: {  	[sflag:s17] =	ssyncset.done $0x0  }
0x111: {  	[sflag:s17] =	ssyncadd.s32 $0xFFFFF9C0  }
0x112: {  	s25 =	smov.u32 s23;
	_ =	swait.ge [sflag:s17], $0x640  }
0x113: {  	p1 =	seq.s32 s25, $0x0;
	[sflag:s17] =	ssyncset.done $0x0  }
0x114: {  	s28 =	simm.s32 @!p1 $0x4;
	[sflag:s17] =	ssyncadd.s32 $0xFFFFF9C0  }
0x115: {  	_ =	swait.ge @!p1 [sflag:s28], $0x6400  }
0x116: {  	s26 =	sshra.s32 s25, $0x2;
	[sflag:s28] =	ssyncset.done @!p1 $0x0  }
0x117: {  	s10 =	sadd.s32 $0x380, s26;
	[sflag:s28] =	ssyncadd.s32 @!p1 $0xFFFF9C00  }
0x118: {  	[tilespmem:s18], [sflag:$0x2] =	stream.indirect.gather [hbm4b:s3+s8], $0x20, s10, s8, $0xb8;
	[tilespmem:$0x13800] =	vst v63  }
0x119: {  	s11 =	sadd.s32 $0x3B8, s26;
	s29 =	rddreg [dreg:$0x3]  }
0x11a: {  	[tilespmem:s29], [sflag:$0x2] =	stream.indirect.gather [hbm4b:s3+s8], $0x20, s11, s8, $0xb8;
	[tilespmem:$0x13800] =	vst v63  }
0x11b: {  	s12 =	sadd.s32 $0x3F0, s26;
	s30 =	rddreg [dreg:$0x4]  }
0x11c: {  	[tilespmem:s30], [sflag:$0x2] =	stream.indirect.gather [hbm4b:s3+s8], $0x20, s12, s8, $0xb8;
	[tilespmem:$0x13800] =	vst v63  }
0x11d: {  	s0 =	sadd.s32 $0x428, s26;
	s31 =	rddreg [dreg:$0x5]  }
0x11e: {  	[tilespmem:s31], [sflag:$0x2] =	stream.indirect.gather [hbm4b:s3+s8], $0x20, s0, s8, $0xb8;
	[tilespmem:$0x13800] =	vst v63  }
0x11f: {  	s1 =	rddreg [dreg:$0x6];
	s10 =	sadd.s32 $0x460, s26  }
0x120: {  	[tilespmem:s1], [sflag:$0x2] =	stream.indirect.gather [hbm4b:s3+s8], $0x20, s10, s8, $0xb8;
	[tilespmem:$0x13800] =	vst v63  }
0x121: {  	s11 =	rddreg [dreg:$0x7];
	s12 =	sadd.s32 $0x498, s26  }
0x122: {  	[tilespmem:s11], [sflag:$0x2] =	stream.indirect.gather [hbm4b:s3+s8], $0x20, s12, s8, $0xb8;
	[tilespmem:$0x13800] =	vst v63  }
0x123: {  	s31 =	rddreg [dreg:$0x8];
	s0 =	sadd.s32 $0x4D0, s26  }
0x124: {  	[tilespmem:s31], [sflag:$0x2] =	stream.indirect.gather [hbm4b:s3+s8], $0x20, s0, s8, $0xb8;
	[tilespmem:$0x13800] =	vst v63  }
0x125: {  	s1 =	rddreg [dreg:$0x9];
	s10 =	sadd.s32 $0x508, s26  }
0x126: {  	[tilespmem:s1], [sflag:$0x2] =	stream.indirect.gather [hbm4b:s3+s8], $0x20, s10, s8, $0xb8;
	[tilespmem:$0x13800] =	vst v63  }
0x127: {  	s11 =	rddreg [dreg:$0xa];
	s12 =	sadd.s32 $0x540, s26  }
0x128: {  	[tilespmem:s11], [sflag:$0x2] =	stream.indirect.gather [hbm4b:s3+s8], $0x20, s12, s8, $0xb8;
	[tilespmem:$0x13800] =	vst v63  }
0x129: {  	s31 =	rddreg [dreg:$0xb];
	s0 =	sadd.s32 $0x578, s26  }
0x12a: {  	[tilespmem:s31], [sflag:$0x2] =	stream.indirect.gather [hbm4b:s3+s8], $0x20, s0, s8, $0xb8;
	[tilespmem:$0x13800] =	vst v63  }
0x12b: {  	s1 =	rddreg [dreg:$0xc];
	s10 =	sadd.s32 $0x5B0, s26  }
0x12c: {  	[tilespmem:s1], [sflag:$0x2] =	stream.indirect.gather [hbm4b:s3+s8], $0x20, s10, s8, $0xb8;
	[tilespmem:$0x13800] =	vst v63  }
0x12d: {  	s11 =	rddreg [dreg:$0xd];
	s12 =	sadd.s32 $0x5E8, s26  }
0x12e: {  	[tilespmem:s11], [sflag:$0x2] =	stream.indirect.gather [hbm4b:s3+s8], $0x20, s12, s8, $0xb8;
	[tilespmem:$0x13800] =	vst v63  }
0x12f: {  	s31 =	rddreg [dreg:$0xe];
	s0 =	sadd.s32 $0x620, s26  }
0x130: {  	[tilespmem:s31], [sflag:$0x2] =	stream.indirect.gather [hbm4b:s3+s8], $0x20, s0, s8, $0xb8;
	[tilespmem:$0x13800] =	vst v63  }
0x131: {  	s1 =	rddreg [dreg:$0xf];
	s10 =	sadd.s32 $0x658, s26  }
0x132: {  	[tilespmem:s1], [sflag:$0x2] =	stream.indirect.gather [hbm4b:s3+s8], $0x20, s10, s8, $0xb8;
	[tilespmem:$0x13800] =	vst v63  }
0x133: {  	s11 =	rddreg [dreg:$0x10];
	s12 =	sadd.s32 $0x690, s26  }
0x134: {  	[tilespmem:s11], [sflag:$0x2] =	stream.indirect.gather [hbm4b:s3+s8], $0x20, s12, s8, $0xb8;
	[tilespmem:$0x13800] =	vst v63  }
0x135: {  	s26 =	sadd.s32 $0x6C8, s26;
	s31 =	rddreg [dreg:$0x11]  }
0x136: {  	[tilespmem:s31], [sflag:$0x2] =	stream.indirect.gather [hbm4b:s3+s8], $0x20, s26, s8, $0xb8;
	[tilespmem:$0x13800] =	vst v63  }
0x137: {  	_ = 	snop  }
0x138: {  	[hbm4b:s24+s2] =	stream.linear.scatter [tilespmem:s9], [sflag:$0x3], $0x6400, $0x38;
	[tilespmem:$0x13800] =	vst v63  }
0x139: {  	_ =	swait.ge [sflag:s19], $0x640  }
0x13a: {  	[sflag:s19] =	ssyncset.done $0x0  }
0x13b: {  	[sflag:s19] =	ssyncadd.s32 $0xFFFFF9C0  }
0x13c: {  	_ =	swait.ge [sflag:s19], $0x640  }
0x13d: {  	[sflag:s19] =	ssyncset.done $0x0  }
0x13e: {  	[sflag:s19] =	ssyncadd.s32 $0xFFFFF9C0  }
0x13f: {  	_ =	swait.ge [sflag:s19], $0x640  }
0x140: {  	[sflag:s19] =	ssyncset.done $0x0  }
0x141: {  	[sflag:s19] =	ssyncadd.s32 $0xFFFFF9C0  }
0x142: {  	_ =	swait.ge [sflag:s19], $0x640  }
0x143: {  	[sflag:s19] =	ssyncset.done $0x0  }
0x144: {  	[sflag:s19] =	ssyncadd.s32 $0xFFFFF9C0  }
0x145: {  	_ =	swait.ge [sflag:s19], $0x640  }
0x146: {  	[sflag:s19] =	ssyncset.done $0x0  }
0x147: {  	[sflag:s19] =	ssyncadd.s32 $0xFFFFF9C0  }
0x148: {  	_ =	swait.ge [sflag:s19], $0x640  }
0x149: {  	[sflag:s19] =	ssyncset.done $0x0  }
0x14a: {  	[sflag:s19] =	ssyncadd.s32 $0xFFFFF9C0  }
0x14b: {  	_ =	swait.ge [sflag:s19], $0x640  }
0x14c: {  	[sflag:s19] =	ssyncset.done $0x0  }
0x14d: {  	[sflag:s19] =	ssyncadd.s32 $0xFFFFF9C0  }
0x14e: {  	_ =	swait.ge [sflag:s19], $0x640  }
0x14f: {  	[sflag:s19] =	ssyncset.done $0x0  }
0x150: {  	[sflag:s19] =	ssyncadd.s32 $0xFFFFF9C0  }
0x151: {  	_ =	swait.ge [sflag:s19], $0x640  }
0x152: {  	[sflag:s19] =	ssyncset.done $0x0  }
0x153: {  	[sflag:s19] =	ssyncadd.s32 $0xFFFFF9C0  }
0x154: {  	_ =	swait.ge [sflag:s19], $0x640  }
0x155: {  	[sflag:s19] =	ssyncset.done $0x0  }
0x156: {  	[sflag:s19] =	ssyncadd.s32 $0xFFFFF9C0  }
0x157: {  	_ =	swait.ge [sflag:s19], $0x640  }
0x158: {  	[sflag:s19] =	ssyncset.done $0x0  }
0x159: {  	[sflag:s19] =	ssyncadd.s32 $0xFFFFF9C0  }
0x15a: {  	_ =	swait.ge [sflag:s19], $0x640  }
0x15b: {  	[sflag:s19] =	ssyncset.done $0x0  }
0x15c: {  	[sflag:s19] =	ssyncadd.s32 $0xFFFFF9C0  }
0x15d: {  	_ =	swait.ge [sflag:s19], $0x640  }
0x15e: {  	[sflag:s19] =	ssyncset.done $0x0  }
0x15f: {  	[sflag:s19] =	ssyncadd.s32 $0xFFFFF9C0  }
0x160: {  	_ =	swait.ge [sflag:s19], $0x640  }
0x161: {  	[sflag:s19] =	ssyncset.done $0x0  }
0x162: {  	[sflag:s19] =	ssyncadd.s32 $0xFFFFF9C0  }
0x163: {  	_ =	swait.ge [sflag:s19], $0x640  }
0x164: {  	[sflag:s19] =	ssyncset.done $0x0  }
0x165: {  	[sflag:s19] =	ssyncadd.s32 $0xFFFFF9C0  }
0x166: {  	_ =	swait.ge [sflag:s19], $0x640  }
0x167: {  	[sflag:s19] =	ssyncset.done $0x0  }
0x168: {  	[sflag:s19] =	ssyncadd.s32 $0xFFFFF9C0  }
0x169: {  	p1 =	seq.s32 s25, $0x1A400;
	_ =	swait.ge [sflag:s20], $0x6400  }
0x16a: {  	s28 =	simm.s32 @!p1 $0x7000;
	s26 =	sshra.s32 @!p1 s25, $0x2;
	[sflag:s20] =	ssyncset.done $0x0  }
0x16b: {  	s25 =	simm.s32 @!p1 $0x32;
	s29 =	sadd.s32 @!p1 $0x700, s26;
	[sflag:s20] =	ssyncadd.s32 $0xFFFF9C00  }
0x16c: {  	[tilespmem:s28], [sflag:$0x1] =	stream.indirect.gather @!p1 [hbm4b:s3+s25], $0x20, s29, s25, $0xb8;
	[tilespmem:$0x13800] =	vst v63  }
0x16d: {  	s28 =	sadd.s32 @!p1 $0x738, s26;
	s29 =	simm.s32 @!p1 $0x7640  }
0x16e: {  	[tilespmem:s29], [sflag:$0x1] =	stream.indirect.gather @!p1 [hbm4b:s3+s25], $0x20, s28, s25, $0xb8;
	[tilespmem:$0x13800] =	vst v63  }
0x16f: {  	s30 =	sadd.s32 @!p1 $0x770, s26;
	s28 =	simm.s32 @!p1 $0x7C80  }
0x170: {  	[tilespmem:s28], [sflag:$0x1] =	stream.indirect.gather @!p1 [hbm4b:s3+s25], $0x20, s30, s25, $0xb8;
	[tilespmem:$0x13800] =	vst v63  }
0x171: {  	s29 =	sadd.s32 @!p1 $0x7A8, s26;
	s28 =	simm.s32 @!p1 $0x82C0  }
0x172: {  	[tilespmem:s28], [sflag:$0x1] =	stream.indirect.gather @!p1 [hbm4b:s3+s25], $0x20, s29, s25, $0xb8;
	[tilespmem:$0x13800] =	vst v63  }
0x173: {  	s31 =	sadd.s32 @!p1 $0x7E0, s26;
	s28 =	simm.s32 @!p1 $0x8900  }
0x174: {  	[tilespmem:s28], [sflag:$0x1] =	stream.indirect.gather @!p1 [hbm4b:s3+s25], $0x20, s31, s25, $0xb8;
	[tilespmem:$0x13800] =	vst v63  }
0x175: {  	s30 =	sadd.s32 @!p1 $0x818, s26;
	s28 =	simm.s32 @!p1 $0x8F40  }
0x176: {  	[tilespmem:s28], [sflag:$0x1] =	stream.indirect.gather @!p1 [hbm4b:s3+s25], $0x20, s30, s25, $0xb8;
	[tilespmem:$0x13800] =	vst v63  }
0x177: {  	s1 =	sadd.s32 @!p1 $0x850, s26;
	s28 =	simm.s32 @!p1 $0x9580  }
0x178: {  	[tilespmem:s28], [sflag:$0x1] =	stream.indirect.gather @!p1 [hbm4b:s3+s25], $0x20, s1, s25, $0xb8;
	[tilespmem:$0x13800] =	vst v63  }
0x179: {  	s29 =	sadd.s32 @!p1 $0x888, s26;
	s1 =	simm.s32 @!p1 $0x9BC0  }
0x17a: {  	[tilespmem:s1], [sflag:$0x1] =	stream.indirect.gather @!p1 [hbm4b:s3+s25], $0x20, s29, s25, $0xb8;
	[tilespmem:$0x13800] =	vst v63  }
0x17b: {  	s0 =	sadd.s32 @!p1 $0x8C0, s26;
	s1 =	simm.s32 @!p1 $0xA200  }
0x17c: {  	[tilespmem:s1], [sflag:$0x1] =	stream.indirect.gather @!p1 [hbm4b:s3+s25], $0x20, s0, s25, $0xb8;
	[tilespmem:$0x13800] =	vst v63  }
0x17d: {  	s31 =	sadd.s32 @!p1 $0x8F8, s26;
	s0 =	simm.s32 @!p1 $0xA840  }
0x17e: {  	[tilespmem:s0], [sflag:$0x1] =	stream.indirect.gather @!p1 [hbm4b:s3+s25], $0x20, s31, s25, $0xb8;
	[tilespmem:$0x13800] =	vst v63  }
0x17f: {  	s10 =	sadd.s32 @!p1 $0x930, s26;
	s0 =	simm.s32 @!p1 $0xAE80  }
0x180: {  	[tilespmem:s0], [sflag:$0x1] =	stream.indirect.gather @!p1 [hbm4b:s3+s25], $0x20, s10, s25, $0xb8;
	[tilespmem:$0x13800] =	vst v63  }
0x181: {  	s30 =	sadd.s32 @!p1 $0x968, s26;
	s0 =	simm.s32 @!p1 $0xB4C0  }
0x182: {  	[tilespmem:s0], [sflag:$0x1] =	stream.indirect.gather @!p1 [hbm4b:s3+s25], $0x20, s30, s25, $0xb8;
	[tilespmem:$0x13800] =	vst v63  }
0x183: {  	s23 =	sadd.s32 $0x1C00, s23;
	s11 =	sadd.s32 @!p1 $0x9A0, s26;
	s0 =	simm.s32 @!p1 $0xBB00  }
0x184: {  	[tilespmem:s0], [sflag:$0x1] =	stream.indirect.gather @!p1 [hbm4b:s3+s25], $0x20, s11, s25, $0xb8;
	[tilespmem:$0x13800] =	vst v63  }
0x185: {  	p0 =	sne.s32 s23, $0x1C000;
	s28 =	sadd.s32 @!p1 $0x9D8, s26;
	s0 =	simm.s32 @!p1 $0xC140  }
0x186: {  	[tilespmem:s0], [sflag:$0x1] =	stream.indirect.gather @!p1 [hbm4b:s3+s25], $0x20, s28, s25, $0xb8;
	[tilespmem:$0x13800] =	vst v63  }
.Ltmp0:
0x187: {  	s12 =	sadd.s32 @!p1 $0xA10, s26;
	s0 =	simm.s32 @!p1 $0xC780;
	(pc) =	sbr.rel @p0 .LBB2_2-.Ltmp0, $4  }
0x188: {  	[tilespmem:s0], [sflag:$0x1] =	stream.indirect.gather @!p1 [hbm4b:s3+s25], $0x20, s12, s25, $0xb8;
	[tilespmem:$0x13800] =	vst v63  }
0x189: {  	s26 =	sadd.s32 @!p1 $0xA48, s26;
	s0 =	simm.s32 @!p1 $0xCDC0  }
0x18a: {  	[tilespmem:s0], [sflag:$0x1] =	stream.indirect.gather @!p1 [hbm4b:s3+s25], $0x20, s26, s25, $0xb8;
	[tilespmem:$0x13800] =	vst v63  }
0x18b: {  	s25 =	sadd.s32 $0xC80, s24;
	s24 =	sadd.s32 $0x1900, s24  }
0x18c: {  	s22 =	sadd.s32 $0x1, s22  }
0x18d: {  	p0 =	sne.s32 s22, s5  }
.Ltmp1:
0x18e: {  	_ = 	snop;
	(pc) =	sbr.rel @p0 .LBB2_1-.Ltmp1, $4  }
0x18f: {  	[hbm4b:s25+s2] =	stream.linear.scatter [tilespmem:s18], [sflag:$0x4], $0x6400, $0x38;
	[tilespmem:$0x13800] =	vst v63  }
0x190: {  	_ =	swait.ge [sflag:s21], $0x6400  }
0x191: {  	[sflag:s21] =	ssyncset.done $0x0  }
0x192: {  	[sflag:s21] =	ssyncadd.s32 $0xFFFF9C00  }
0x193: {  	_ =	sfence.sel $0x180000  }
0x194: {  	[bflag:$0x0] =	sbarrier.arrive $0xFFFF  }
0x195: {  	_ =	strace $0x90000047  }
0x196: {  	s0 =	stileid.u32;
	[bflag:$0x2] =	sbarrier.arrive $0xFFFF  }
0x197: {  	p0 =	sne.s32 s0, $0x0;
	s0 =	rddreg [dreg:$0x2]  }
0x198: {  	s0 =	sadd.s32 @!p0 $0x100000, s0  }
0x199: {  	[sflag:s0] =	ssyncadd.tile.s32 @!p0 $0x1;
	_ =	shalt  }
.Lfunc_end2:
_tile_overlayer_lowered:
.L_overlay_start_2:
0x19a: {  	(tag) =	ssettag $0x2  }
0x19b: {  	s0 =	rddreg [dreg:$0x0];
	s2 =	stileid.u32  }
0x19c: {  	s1 =	rddreg [dreg:$0x1];
	p0 =	sne.s32 s2, $0x0  }
0x19d: {  	s3 =	rddreg [dreg:$0x2];
	[bflag:$0x3] =	sbarrier.arrive $0xFFFF;
	s2 =	simm.s32 @!p0 $0x1C05  }
0x19e: {  	[timem:s3], [sflag:s2] =	dma.local @!p0 [hbm:s0], s1  }
0x19f: {  	s0 =	simm.s32 @!p0 $0x5  }
0x1a0: {  	_ =	swait.ge @!p0 [sflag:s0], s1  }
0x1a1: {  	s1 =	ssub.s32 @!p0 $0x0, s1;
	[sflag:s0] =	ssyncset.done @!p0 $0x0  }
0x1a2: {  	[sflag:s0] =	ssyncadd.s32 @!p0 s1  }
0x1a3: {  	[bflag:$0x3] =	sbarrier.arrive $0xFFFF  }
0x1a4: {  	_ =	shalt  }

// kernel: sparse-core-data-format-call.cloned.1.call-start
scs
called_computation_lowered:
.L_overlay_start_0:
0x0: {  	s2 =	sld [smem:$0x3FD9]  }
0x1: {  	s3 =	sld [smem:$0x3FFE];
	_ =	sdelay $0x1  }
0x2: {  	s1 =	srdreg.scid  }
0x3: {  	s0 =	sand.u32 $0x1, s1  }
0x4: {  	s18 =	sshll.u32 s0, $0xA;
	s2 =	sadd.s32 s3, s2  }
0x5: {  	s2 =	sadd.s32 s2, s18  }
0x6: {  	[smem:$0x3FC6] =	sst s2  }
0x7: {  	_ = 	snop  }
0x8: {  	s2 =	sld [smem:$0x3FD0];
	(tm) =	ssettm $0x1  }
0x9: {  	s19 =	sld [smem:$0x3FFB];
	_ =	sdelay $0x3  }
0xa: {  	_ =	strace s19  }
0xb: {  	s3 =	sld [smem:$0x3FFC];
	_ =	sdelay $0x3  }
0xc: {  	_ =	strace s3  }
0xd: {  	s3 =	sld [smem:$0x3FFD];
	_ =	sdelay $0x3  }
0xe: {  	_ =	strace s3  }
0xf: {  	_ =	strace $0x8FFFFFFF  }
0x10: {  	s20 =	sld [smem:$0x3FDB];
	_ =	sdelay $0x1  }
0x11: {  	s4 =	simm.s32 $_scs_section_size  }
0x12: {  	s5 =	simm.s32 $_size__tile_overlayer_lowered;
	s6 =	simm.s32 $_tile_overlayer_lowered  }
0x13: {  	s23 =	simm.s32 $0x1BFF;
	s22 =	sshll.u32 s6, $0x1;
	s3 =	sadd.s32 s4, s20  }
0x14: {  	s7 =	simm.s32 $0x0;
	s21 =	sshll.u32 s5, $0x1;
	s5 =	sadd.s32 s22, s3  }
0x15: {  	[timem:s7], [sflag:s23] =	dma.local [hbm:s5], s21  }
0x16: {  	_ =	swait.ge [sflag:s23], s21  }
0x17: {  	s4 =	ssub.s32 $0x0, s21;
	[sflag:s23] =	ssyncset.done $0x0  }
0x18: {  	[sflag:s23] =	ssyncadd.s32 s4;
	_ =	sdelay $0x1  }
0x19: {  	s24 =	simm.s32 $0x1B8B  }
0x1a: {  	_ =	swait.ge [sflag:s24], $0x1  }
0x1b: {  	[sflag:s24] =	ssyncset.done $0x0  }
0x1c: {  	s26 =	simm.s32 $0x1B8E;
	s25 =	sld [smem:$0x3FFE];
	[sflag:s24] =	ssyncadd.s32 $0xFFFFFFFF  }
0x1d: {  	s27 =	simm.s32 $execute0_lowered;
	[smem:$0x3FD2] =	sst s26  }
0x1e: {  	s5 =	sshll.u32 s27, $0x1;
	_ =	strace $0x80000049;
	[dreg:$0x1] =	wrdreg $0xFFFFFFFF  }
0x1f: {  	s28 =	simm.s32 $_size_execute0_lowered;
	s3 =	sadd.s32 s3, s5;
	[dreg:$0x0] =	wrdreg $0x0  }
0x20: {  	s5 =	sshll.u32 s28, $0x1;
	[dreg:$0x2] =	wrdreg s3  }
0x21: {  	[dreg:$0x3] =	wrdreg s5  }
0x22: {  	[dreg:$0x4] =	wrdreg $0xC0  }
0x23: {  	_ =	task [dreg:s7], $0x5FFFF  }
0x24: {  	[dreg:$0x1] =	wrdreg $0xFFFFFFFF  }
0x25: {  	[dreg:$0x0] =	wrdreg $0x60  }
0x26: {  	[dreg:$0x2] =	wrdreg s25  }
0x27: {  	[dreg:$0x3] =	wrdreg s2  }
0x28: {  	[dreg:$0x4] =	wrdreg $0x9  }
0x29: {  	_ =	task.clear_ibuf [dreg:s7], $0x5FFFF;
	_ =	strace $0x90000049  }
0x2a: {  	s29 =	simm.s32 $0x9;
	_ =	strace $0x8000004B  }
0x2b: {  	_ =	swait.ge [sflag:s29], $0x1  }
0x2c: {  	[sflag:s29] =	ssyncadd.s32 $0xFFFFFFFF  }
0x2d: {  	_ =	strace $0x9000004B  }
0x2e: {  	_ =	sfence  }
0x2f: {  	s30 =	sld [smem:$0x0];
	_ =	sdelay $0x2  }
0x30: {  	s31 =	sshll.u32 s1, $0xD;
	s1 =	sshrl.u32 s1, $0x2  }
0x31: {  	s3 =	sand.u32 $0x4000, s31;
	s1 =	sadd.s32 s1, s30  }
0x32: {  	s0 =	sor.u32 s3, s0;
	s1 =	sshll.u32 s1, $0x11  }
0x33: {  	s0 =	sor.u32 s1, s0  }
0x34: {  	s0 =	sadd.s32 $0x8F2B, s0  }
0x35: {  	[sflag:s0] =	ssyncadd.remote.s32 $0x1  }
0x36: {  	_ =	sfence.sel $0xFFFF  }
0x37: {  	[dreg:$0x0] =	wrdreg $0xFFFFFFFF;
	(pc) =	sbr.abs _section_cstart, $3  }
0x38: {  	[dreg:$0x1] =	wrdreg $0xFFFFFFFF  }
0x39: {  	_ =	task.clear_ibuf [dreg:s7], $0x2FFFF;
	_ =	strace $0x9FFFFFFF  }
0x3a: {  	(tm) =	ssettm $0x7FFFFFFF  }
0x3b: {  	_ =	shalt  }
tec
execute0_lowered:
.L_overlay_start_1:
0x0: {  	(tag) =	ssettag $0x1  }
0x1: {  	s0 =	srdreg.scid  }
0x2: {  	s1 =	sshll.u32 s0, $0x4  }
0x3: {  	s0 =	stileid.u32;
	s1 =	sand.u32 $0x10, s1  }
0x4: {  	s1 =	sor.u32 s0, s1  }
0x5: {  	s6 =	rddreg [dreg:$0x0];
	s4 =	simm.s32 $0x1;
	s2 =	sshll.u32 s1, $0x7  }
0x6: {  	s7 =	simm.s32 $0x2;
	s12 =	simm.s32 $0x0;
	s1 =	ssub.s32 $0x4000, s2  }
0x7: {  	s8 =	simm.s32 $0x20000;
	s13 =	simm.s32 $0x0;
	s3 =	sand.u32 $0xF80, s1  }
0x8: {  	s9 =	simm.s32 $0x0;
	s5 =	sshrl.u32 s1, $0xC;
	p0 =	sne.s32 s3, $0x0  }
.Ltmp0:
0x9: {  	s1 =	rddreg [dreg:$0x2];
	s4 =	simm.s32 @!p0 $0x0;
	(pc) =	sbr.rel .LBB1_1-.Ltmp0, $4  }
0xa: {  	s11 =	simm.s32 $0x0;
	s3 =	rddreg [dreg:$0x1];
	s5 =	sadd.s32 s4, s5  }
0xb: {  	_ =	strace $0x8000004A;
	s4 =	simm.s32 $0x1;
	s5 =	smul.u32 $0x32, s5  }
0xc: {  	s6 =	sadd.s32 $0xA00, s6;
	s10 =	smov.u32 s2;
	[sflag:s4] =	ssyncpa.u1 $0x0  }
0xd: {  	p0 =	por $0x0, $0x0;
	[sflag:s7] =	ssyncpa.u1 $0x0;
	s7 =	sor.u32 $0x1, s5  }
.LBB1_4:
0xe: {  	s16 =	sshll.u32 s13, $0x3;
	s17 =	sand.u32 $0x78, s13  }
0xf: {  	s30 =	sand.u32 $0xF800, s13;
	s12 =	sshll.u32 s12, $0x10;
	s16 =	sand.u32 $0x3C00, s16  }
0x10: {  	s31 =	sand.u32 $0x7, s13;
	s16 =	sor.u32 s17, s16;
	s17 =	sadd.s32 s3, s30  }
0x11: {  	s13 =	sshll.u32 s31, $0x12;
	s16 =	sshrl.u32 s16, $0x3;
	s12 =	sadd.s32 s12, s17  }
0x12: {  	[tilespmem:s15+$0x0 ss:$0x81] =	vst.msk $0xffff, v0;
	s13 =	sor.u32 $0x400, s13;
	s12 =	sadd.s32 s16, s12  }
0x13: {  	[hbm4b:s12+s13] =	stream.strided.scatter [tilespmem:s14], [sflag:$0x2], $0x1000, s8, s13, $0x20;
	[tilespmem:$0x4040] =	vst v63  }
.LBB1_5:
0x14: {  	s14 =	sadd.s32 $0x1, s9  }
0x15: {  	s12 =	sadd.s32 $0x1000, s10;
	s16 =	smov.u32 s10;
	p2 =	sgt.s32 s14, $0x31  }
0x16: {  	s16 =	smov.u32 @p2 s12  }
0x17: {  	s14 =	simm.s32 @p2 $0x0;
	p2 =	sgt.s32 s16, $0x3FFF  }
0x18: {  	s16 =	smov.u32 @p2 s2;
	p2 =	sne.s32 s11, s7  }
.Ltmp1:
0x19: {  	p1 =	slt.u32 s11, $0x2;
	(pc) =	sbr.rel @!p2 .LBB1_6-.Ltmp1, $4  }
0x1a: {  	s15 =	simm.s32 @!p1 $0x2  }
0x1b: {  	s13 =	smov.u32 s10;
	p0 =	por !p0, !p0;
	_ =	swait.ge @!p1 [sflag:s15], $0x1000  }
0x1c: {  	s12 =	smov.u32 s9;
	[sflag:s15] =	ssyncset.done @!p1 $0x0;
	s9 =	smov.u32 s14  }
0x1d: {  	s11 =	sadd.s32 $0x1, s11;
	[sflag:s15] =	ssyncadd.s32 @!p1 $0xFFFFF000;
	s10 =	smov.u32 s16  }
.LBB1_1:
0x1e: {  	p1 =	sge.u32 s11, s5  }
0x1f: {  	s14 =	sand.u32 @!p1 $0x1FFFFFF, s9  }
0x20: {  	s15 =	smulhi.u32 @!p1 $0x4924925, s14;
	_ =	sdelay $0x1  }
0x21: {  	s15 =	smul.u32 @!p1 $0x38, s15  }
0x22: {  	s16 =	sxor.u32 @!p1 $0xFFFFFFFF, s11;
	s17 =	smul.u32 @!p1 $0x380, s10  }
0x23: {  	s31 =	sadd.s32 $0xFFFFFFFF, s11;
	s16 =	sshll.u32 @!p1 s16, $0xC;
	s14 =	ssub.s32 @!p1 s14, s15  }
0x24: {  	s15 =	sand.u32 @!p1 $0x1000, s16;
	s16 =	sadd.s32 @!p1 s6, s17;
	s14 =	sshll.u32 @!p1 s14, $0x4  }
0x25: {  	s17 =	simm.s32 @!p1 $0x1C00;
	s14 =	sadd.s32 @!p1 s14, s16;
	s16 =	simm.s32 @!p1 $0x20  }
0x26: {  	[tilespmem:s15], [sflag:$0x1] =	stream.strided.gather @!p1 [hbm4b:s14+s16], $0x1000, s17, s16, $0x38;
	[tilespmem:$0x4040] =	vst v63  }
0x27: {  	p1 =	sge.u32 s31, s5  }
.Ltmp2:
0x28: {  	_ = 	snop;
	(pc) =	sbr.rel @p1 .LBB1_5-.Ltmp2, $1  }
0x29: {  	_ =	sdelay $0x3  }
0x2a: {  	s14 =	simm.s32 $0x1  }
0x2b: {  	_ =	swait.ge [sflag:s4], $0x1000;
	s14 =	simm.s32 @!p0 $0x0  }
0x2c: {  	[sflag:s4] =	ssyncset.done $0x0;
	s15 =	sshll.u32 s14, $0xC  }
0x2d: {  	[sflag:s4] =	ssyncadd.s32 $0xFFFFF000;
	s18 =	sor.u32 $0x10, s15  }
0x2e: {  	s14 =	smul.u32 $0x4080, s14;
	v1 =	vld [tilespmem:s18+$0x0]  }
0x2f: {  	s30 =	sand.u32 $0x1, s11;
	v0 =	vld [tilespmem:s18+$0xFFFFFFF0]  }
0x30: {  	s15 =	smul.u32 $0x4080, s30;
	s14 =	sshrl.u32 s14, $0x2  }
0x31: {  	s16 =	sor.u32 $0x2000, s14  }
0x32: {  	s31 =	sshrl.u32 s15, $0x2;
	s15 =	sadd.s32 $0x0, s16  }
0x33: {  	s17 =	simm.s32 $0x4;
	s18 =	sadd.s32 $0x20, s18;
	s14 =	sor.u32 $0x2000, s31;
	[tilespmem:s15+$0x810 ss:$0x81] =	vst.msk $0xffff, v1  }
.LBB1_3:
0x34: {  	v1 =	vld [tilespmem:s18+$0x0];
	p1 =	sne.s32 s17, $0x1FC;
	[tilespmem:s15+$0x0 ss:$0x81] =	vst.msk $0xffff, v0;
	s15 =	smov.u32 s17;
	s17 =	sadd.s32 $0x4, s17  }
.Ltmp3:
0x35: {  	v0 =	vld [tilespmem:s18+$0xFFFFFFF0];
	(pc) =	sbr.rel @p1 .LBB1_3-.Ltmp3, $4  }
0x36: {  	_ = 	snop  }
0x37: {  	s15 =	sshra.s32 s15, $0x2  }
0x38: {  	s15 =	sadd.s32 s15, s16  }
0x39: {  	s18 =	sadd.s32 $0x20, s18;
	[tilespmem:s15+$0x810 ss:$0x81] =	vst.msk $0xffff, v1  }
.Ltmp4:
0x3a: {  	_ = 	snop;
	(pc) =	sbr.rel .LBB1_4-.Ltmp4, $1  }
0x3b: {  	_ =	sdelay $0x3  }
.LBB1_6:
0x3c: {  	_ =	sfence.sel $0x180000  }
0x3d: {  	s2 =	simm.s32 $0x1;
	[bflag:$0x0] =	sbarrier.arrive $0xFFFF  }
0x3e: {  	s31 =	simm.s32 $0x2;
	[sflag:s2] =	ssyncpa.u1 $0x1  }
0x3f: {  	[sflag:s31] =	ssyncpa.u1 $0x1  }
0x40: {  	p0 =	sne.s32 s0, $0x0;
	_ =	strace $0x9000004A  }
0x41: {  	s0 =	sadd.s32 @!p0 $0x100000, s1;
	[bflag:$0x2] =	sbarrier.arrive $0xFFFF  }
0x42: {  	[sflag:s0] =	ssyncadd.tile.s32 @!p0 $0x1;
	_ =	shalt  }
.Lfunc_end1:
_tile_overlayer_lowered:
.L_overlay_start_2:
0x43: {  	(tag) =	ssettag $0x2  }
0x44: {  	s0 =	rddreg [dreg:$0x0];
	s2 =	stileid.u32  }
0x45: {  	s1 =	rddreg [dreg:$0x1];
	p0 =	sne.s32 s2, $0x0  }
0x46: {  	s3 =	rddreg [dreg:$0x2];
	[bflag:$0x3] =	sbarrier.arrive $0xFFFF;
	s2 =	simm.s32 @!p0 $0x1C01  }
0x47: {  	[timem:s3], [sflag:s2] =	dma.local @!p0 [hbm:s0], s1  }
0x48: {  	s0 =	simm.s32 @!p0 $0x1  }
0x49: {  	_ =	swait.ge @!p0 [sflag:s0], s1  }
0x4a: {  	s1 =	ssub.s32 @!p0 $0x0, s1;
	[sflag:s0] =	ssyncset.done @!p0 $0x0  }
0x4b: {  	[sflag:s0] =	ssyncadd.s32 @!p0 s1  }
0x4c: {  	[bflag:$0x3] =	sbarrier.arrive $0xFFFF  }
0x4d: {  	_ =	shalt  }

</sc_bundles>
